<compile_context>
chip_gen: v7x
topology: tpu7x:2x2x1
jax: 0.10.2.dev20260603
libtpu: 0.0.44.dev20260713+nightly
codegen_flags: <defaults>
</compile_context>

<pallas_src>
import functools

import jax
import jax.numpy as jnp
from jax import lax
from jax.experimental import pallas as pl
from jax.experimental.pallas import tpu as pltpu
from jax.experimental.pallas import tpu_sc as plsc

_NC = 2
_NS = 16
_NBUF = 6


def _sc_build_res(hist, user, item, cate, u_table, i_table, c_table):
    L, B = hist.shape
    D = i_table.shape[1]
    bpw = B // (_NC * _NS)
    nbuf = _NBUF
    tail = (L - nbuf) % nbuf

    mesh = plsc.VectorSubcoreMesh(core_axis_name="c", subcore_axis_name="s")

    @functools.partial(
        pl.kernel,
        mesh=mesh,
        out_type=jax.ShapeDtypeStruct((B, (3 + nbuf) * D), jnp.float32),
        scratch_types=[
            pltpu.VMEM((L, bpw), jnp.int32),
            pltpu.VMEM((bpw,), jnp.int32),
        ] + [pltpu.VMEM((bpw, D), jnp.float32) for _ in range(nbuf)]
          + [pltpu.SemaphoreType.DMA for _ in range(nbuf)]
          + [pltpu.SemaphoreType.DMA, pltpu.SemaphoreType.DMA],
    )
    def k(hist_hbm, user_hbm, item_hbm, cate_hbm, ut_hbm, it_hbm, ct_hbm,
          res_hbm, hist_v, qidx_v, *bufsems):
        bufs, sems = bufsems[:nbuf], bufsems[nbuf:nbuf + nbuf]
        hsem, wsem = bufsems[-2], bufsems[-1]
        c = lax.axis_index("c")
        s = lax.axis_index("s")
        gbase = (c * _NS + s) * bpw

        pltpu.sync_copy(hist_hbm.at[pl.ds(0, 8), pl.ds(gbase, bpw)],
                        hist_v.at[pl.ds(0, 8)])
        pltpu.async_copy(hist_hbm.at[pl.ds(8, L - 8), pl.ds(gbase, bpw)],
                        hist_v.at[pl.ds(8, L - 8)], hsem)

        for j in range(1, nbuf):
            pltpu.async_copy(it_hbm.at[hist_v.at[j]], bufs[j], sems[j])

        pltpu.sync_copy(user_hbm.at[pl.ds(gbase, bpw)], qidx_v)
        pltpu.sync_copy(ut_hbm.at[qidx_v], bufs[0])
        pltpu.sync_copy(bufs[0], res_hbm.at[pl.ds(gbase, bpw), pl.ds(0, D)])

        pltpu.sync_copy(item_hbm.at[pl.ds(gbase, bpw)], qidx_v)
        pltpu.sync_copy(it_hbm.at[qidx_v], bufs[0])
        pltpu.sync_copy(bufs[0], res_hbm.at[pl.ds(gbase, bpw), pl.ds(D, D)])

        pltpu.sync_copy(cate_hbm.at[pl.ds(gbase, bpw)], qidx_v)
        pltpu.sync_copy(ct_hbm.at[qidx_v], bufs[0])
        pltpu.sync_copy(bufs[0], res_hbm.at[pl.ds(gbase, bpw), pl.ds(2 * D, D)])

        pltpu.async_copy(it_hbm.at[hist_v.at[0]], bufs[0], sems[0])
        pltpu.make_async_copy(hist_hbm.at[pl.ds(8, L - 8), pl.ds(gbase, bpw)],
                              hist_v.at[pl.ds(8, L - 8)], hsem).wait()

        @pl.loop(nbuf, L - tail, step=nbuf)
        def _(l):
            for j in range(nbuf):
                pltpu.make_async_copy(
                    it_hbm.at[hist_v.at[l + j]], bufs[j], sems[j]).wait()
                pltpu.async_copy(
                    it_hbm.at[hist_v.at[l + j]], bufs[j], sems[j], add=True)

        for j in range(tail):
            pltpu.make_async_copy(it_hbm.at[hist_v.at[j]], bufs[j], sems[j]).wait()
            pltpu.async_copy(
                it_hbm.at[hist_v.at[L - tail + j]], bufs[j], sems[j], add=True)

        for j in range(nbuf):
            pltpu.make_async_copy(it_hbm.at[hist_v.at[j]], bufs[j], sems[j]).wait()
            pltpu.async_copy(
                bufs[j], res_hbm.at[pl.ds(gbase, bpw), pl.ds((3 + j) * D, D)],
                wsem)
        for j in range(nbuf):
            pltpu.make_async_copy(
                bufs[j], res_hbm.at[pl.ds(gbase, bpw), pl.ds((3 + j) * D, D)],
                wsem).wait()

    return k(hist, user, item, cate, u_table, i_table, c_table)


def _dice(x, alpha):
    mean = jnp.mean(x, axis=0, keepdims=True)
    var = jnp.mean((x - mean) ** 2, axis=0, keepdims=True)
    x_n = (x - mean) * lax.rsqrt(var + 1e-8)
    p = jax.nn.sigmoid(x_n)
    return p * x + (1.0 - p) * alpha * x


def _mlp_body(res_ref, w1_ref, b1_ref, a1_ref, w2_ref, b2_ref, a2_ref,
              w3_ref, b3_ref, out_ref):
    r = res_ref[...]
    d = w1_ref.shape[0] // 4
    cur = r[:, 3 * d:4 * d]
    for j in range(1, (r.shape[1] - 3 * d) // d):
        cur = cur + r[:, (3 + j) * d:(4 + j) * d]
    x = jnp.concatenate([r[:, :3 * d], cur], axis=1)
    h = jnp.dot(x, w1_ref[...], preferred_element_type=jnp.float32) + b1_ref[...]
    h = _dice(h, a1_ref[...])
    h = jnp.dot(h, w2_ref[...], preferred_element_type=jnp.float32) + b2_ref[...]
    h = _dice(h, a2_ref[...])
    out_ref[...] = (
        jnp.dot(h, w3_ref[...], preferred_element_type=jnp.float32) + b3_ref[...]
    )


def kernel(user, hist, item, cate, u_table, i_table, c_table,
           W1, b1, alpha1, W2, b2, alpha2, W3, b3):
    B = user.shape[0]
    D = i_table.shape[1]

    res = _sc_build_res(hist, user, item, cate, u_table, i_table, c_table)

    out = pl.pallas_call(
        _mlp_body,
        out_shape=jax.ShapeDtypeStruct((B, W3.shape[1]), jnp.float32),
    )(res, W1, b1.reshape(1, -1), alpha1.reshape(1, -1),
      W2, b2.reshape(1, -1), alpha2.reshape(1, -1),
      W3, b3.reshape(1, -1))
    return out

# --- scband reference (transcript-rebuilt; emitter-appended) ---
"""Pipeline reference for scband-base-model-38620345926152 (READ-ONLY COPY).

The authoritative reference and input builder live on the scoring server;
editing this copy changes nothing except your own understanding.
"""

import jax, jax.numpy as jnp
import numpy as np

USER_NUM = 100000
ITEM_NUM = 100000
CATE_NUM = 1000
D = 128
B = 4096
L = 200


def dice(x, alpha):
    # Dice activation (DIN): batch-normalize (biased variance, like BatchNorm), gate, blend.
    mean = jnp.mean(x, axis=0, keepdims=True)
    var = jnp.var(x, axis=0, keepdims=True)
    x_n = (x - mean) / jnp.sqrt(var + 1e-8)
    p = jax.nn.sigmoid(x_n)
    return p * x + (1.0 - p) * alpha * x


def setup_inputs(seed: int = 0) -> dict:
    key = jax.random.key(seed)
    ks = jax.random.split(key, 16)
    user = jax.random.randint(ks[0], (B,), 0, USER_NUM, dtype=jnp.int64 if jax.config.jax_enable_x64 else jnp.int32).astype(jnp.int32)
    hist = jax.random.randint(ks[1], (L, B), 0, ITEM_NUM).astype(jnp.int32)
    item = jax.random.randint(ks[2], (B,), 0, ITEM_NUM).astype(jnp.int32)
    cate = jax.random.randint(ks[3], (B,), 0, CATE_NUM).astype(jnp.int32)
    u_table = jax.random.normal(ks[4], (USER_NUM, D), dtype=jnp.float32) * 0.02
    i_table = jax.random.normal(ks[5], (ITEM_NUM, D), dtype=jnp.float32) * 0.02
    c_table = jax.random.normal(ks[6], (CATE_NUM, D), dtype=jnp.float32) * 0.02
    W1 = jax.random.normal(ks[7], (4 * D, 80), dtype=jnp.float32) * (1.0 / np.sqrt(4 * D))
    b1 = jnp.zeros((80,), dtype=jnp.float32)
    alpha1 = jnp.zeros((80,), dtype=jnp.float32)
    W2 = jax.random.normal(ks[8], (80, 40), dtype=jnp.float32) * (1.0 / np.sqrt(80))
    b2 = jnp.zeros((40,), dtype=jnp.float32)
    alpha2 = jnp.zeros((40,), dtype=jnp.float32)
    W3 = jax.random.normal(ks[9], (40, 2), dtype=jnp.float32) * (1.0 / np.sqrt(40))
    b3 = jnp.zeros((2,), dtype=jnp.float32)
    return {"user": user, "hist": hist, "item": item, "cate": cate,
            "u_table": u_table, "i_table": i_table, "c_table": c_table,
            "W1": W1, "b1": b1, "alpha1": alpha1,
            "W2": W2, "b2": b2, "alpha2": alpha2,
            "W3": W3, "b3": b3}


def reference(user, hist, item, cate, u_table, i_table, c_table,
              W1, b1, alpha1, W2, b2, alpha2, W3, b3):
    u = jnp.take(u_table, user, axis=0)          # [B, D]
    it = jnp.take(i_table, item, axis=0)         # [B, D]
    c = jnp.take(c_table, cate, axis=0)          # [B, D]
    # history embeddings were detached in the original (numpy round-trip)
    h = jax.lax.stop_gradient(jnp.take(i_table, hist, axis=0))  # [L, B, D]
    cur = jnp.sum(h, axis=0)                     # [B, D]
    res = jnp.concatenate([u, it, c, cur], axis=-1)  # [B, 4D]
    x = res @ W1 + b1
    x = dice(x, alpha1)
    x = x @ W2 + b2
    x = dice(x, alpha2)
    x = x @ W3 + b3
    return x

if __name__ == "__main__":
    import jax
    _d = setup_inputs()
    print(jax.jit(kernel)(*tuple(_d.values())))

</pallas_src>

<mosaic_0001>
#map = affine_map<(d0, d1) -> (0, 0)>
#map1 = affine_map<(d0, d1) -> (0)>
module attributes {stable_mosaic.version = 14 : i64} {
  func.func @k(%arg0: i32, %arg1: i32, %arg2: memref<200x4096xi32, #tpu.memory_space<hbm>>, %arg3: memref<4096xi32, #tpu.memory_space<hbm>>, %arg4: memref<4096xi32, #tpu.memory_space<hbm>>, %arg5: memref<4096xi32, #tpu.memory_space<hbm>>, %arg6: memref<100000x128xf32, #tpu.memory_space<hbm>>, %arg7: memref<100000x128xf32, #tpu.memory_space<hbm>>, %arg8: memref<1000x128xf32, #tpu.memory_space<hbm>>, %arg9: memref<4096x1152xf32, #tpu.memory_space<hbm>>, %arg10: memref<200x128xi32, #tpu.memory_space<vmem>>, %arg11: memref<128xi32, #tpu.memory_space<vmem>>, %arg12: memref<128x128xf32, #tpu.memory_space<vmem>>, %arg13: memref<128x128xf32, #tpu.memory_space<vmem>>, %arg14: memref<128x128xf32, #tpu.memory_space<vmem>>, %arg15: memref<128x128xf32, #tpu.memory_space<vmem>>, %arg16: memref<128x128xf32, #tpu.memory_space<vmem>>, %arg17: memref<128x128xf32, #tpu.memory_space<vmem>>, %arg18: memref<!tpu.dma_semaphore, #tpu.memory_space<semaphore_mem>>, %arg19: memref<!tpu.dma_semaphore, #tpu.memory_space<semaphore_mem>>, %arg20: memref<!tpu.dma_semaphore, #tpu.memory_space<semaphore_mem>>, %arg21: memref<!tpu.dma_semaphore, #tpu.memory_space<semaphore_mem>>, %arg22: memref<!tpu.dma_semaphore, #tpu.memory_space<semaphore_mem>>, %arg23: memref<!tpu.dma_semaphore, #tpu.memory_space<semaphore_mem>>, %arg24: memref<!tpu.dma_semaphore, #tpu.memory_space<semaphore_mem>>, %arg25: memref<!tpu.dma_semaphore, #tpu.memory_space<semaphore_mem>>) attributes {dimension_semantics = [#tpu.dimension_semantics<core_parallel>, #tpu.dimension_semantics<subcore_parallel>], iteration_bounds = array<i64: 2, 16>, scalar_prefetch = 0 : i64, scratch_operands = 16 : i64, tpu.core_type = #tpu.core_type<sc_vector_subcore>, window_params = [{transform_indices = #map}, {transform_indices = #map1}, {transform_indices = #map1}, {transform_indices = #map1}, {transform_indices = #map}, {transform_indices = #map}, {transform_indices = #map}, {transform_indices = #map}]} {
    %mul3A = arith.constant 16 : i32
    %mul3A_0 = arith.muli %arg0, %mul3A : i32
    %add3A = arith.addi %mul3A_0, %arg1 : i32
    %mul3A_1 = arith.constant 128 : i32
    %mul3A_2 = arith.muli %add3A, %mul3A_1 : i32
    "tpu.region"() ({
      %run_scoped3A = tpu.sem_alloc : memref<!tpu.dma_semaphore, #tpu.memory_space<semaphore_mem>>
      %dma_start3A_185 = arith.constant 0 : i32
      %dma_start3A_186 = arith.constant 0 : i32
      %dma_start3A_187 = tpu.memref_slice %arg10[%dma_start3A_185, %dma_start3A_186] : memref<200x128xi32, #tpu.memory_space<vmem>> -> memref<8x128xi32, #tpu.memory_space<vmem>>
      %dma_start3A_188 = arith.constant 0 : i32
      %dma_start3A_189 = tpu.memref_slice %arg2[%dma_start3A_188, %mul3A_2] : memref<200x4096xi32, #tpu.memory_space<hbm>> -> memref<8x128xi32, #tpu.memory_space<hbm>>
      %dma_start3A_190 = arith.constant 0 : i32
      %dma_start3A_191 = arith.constant 0 : i32
      %dma_start3A_192 = tpu.memref_slice %arg10[%dma_start3A_190, %dma_start3A_191] : memref<200x128xi32, #tpu.memory_space<vmem>> -> memref<8x128xi32, #tpu.memory_space<vmem>>
      %dma_start3A_193 = arith.constant 0 : i32
      %dma_start3A_194 = tpu.memref_slice %arg2[%dma_start3A_193, %mul3A_2] : memref<200x4096xi32, #tpu.memory_space<hbm>> -> memref<8x128xi32, #tpu.memory_space<hbm>>
      tpu.enqueue_dma source(%dma_start3A_194 : memref<8x128xi32, #tpu.memory_space<hbm>>) target(%dma_start3A_192 : memref<8x128xi32, #tpu.memory_space<vmem>>) target_semaphore(%run_scoped3A : memref<!tpu.dma_semaphore, #tpu.memory_space<semaphore_mem>>)
      %dma_wait3A_195 = arith.constant 0 : i32
      %dma_wait3A_196 = arith.constant 0 : i32
      %dma_wait3A_197 = tpu.memref_slice %arg10[%dma_wait3A_195, %dma_wait3A_196] : memref<200x128xi32, #tpu.memory_space<vmem>> -> memref<8x128xi32, #tpu.memory_space<vmem>>
      %dma_wait3A_198 = arith.constant 0 : i32
      %dma_wait3A_199 = tpu.memref_slice %arg2[%dma_wait3A_198, %mul3A_2] : memref<200x4096xi32, #tpu.memory_space<hbm>> -> memref<8x128xi32, #tpu.memory_space<hbm>>
      %dma_wait3A_200 = arith.constant 0 : i32
      %dma_wait3A_201 = arith.constant 0 : i32
      %dma_wait3A_202 = tpu.memref_slice %arg10[%dma_wait3A_200, %dma_wait3A_201] : memref<200x128xi32, #tpu.memory_space<vmem>> -> memref<8x128xi32, #tpu.memory_space<vmem>>
      %dma_wait3A_203 = arith.constant 0 : i32
      %dma_wait3A_204 = tpu.memref_slice %arg2[%dma_wait3A_203, %mul3A_2] : memref<200x4096xi32, #tpu.memory_space<hbm>> -> memref<8x128xi32, #tpu.memory_space<hbm>>
      tpu.wait_dma2 semaphore(%run_scoped3A : memref<!tpu.dma_semaphore, #tpu.memory_space<semaphore_mem>>) src(%dma_wait3A_204 : memref<8x128xi32, #tpu.memory_space<hbm>>) dst(%dma_wait3A_202 : memref<8x128xi32, #tpu.memory_space<vmem>>)
      tpu.yield
    }) : () -> ()
    %dma_start3A = arith.constant 8 : i32
    %dma_start3A_3 = arith.constant 0 : i32
    %dma_start3A_4 = tpu.memref_slice %arg10[%dma_start3A, %dma_start3A_3] : memref<200x128xi32, #tpu.memory_space<vmem>> -> memref<192x128xi32, #tpu.memory_space<vmem>>
    %dma_start3A_5 = arith.constant 8 : i32
    %dma_start3A_6 = tpu.memref_slice %arg2[%dma_start3A_5, %mul3A_2] : memref<200x4096xi32, #tpu.memory_space<hbm>> -> memref<192x128xi32, #tpu.memory_space<hbm>>
    %dma_start3A_7 = arith.constant 8 : i32
    %dma_start3A_8 = arith.constant 0 : i32
    %dma_start3A_9 = tpu.memref_slice %arg10[%dma_start3A_7, %dma_start3A_8] : memref<200x128xi32, #tpu.memory_space<vmem>> -> memref<192x128xi32, #tpu.memory_space<vmem>>
    %dma_start3A_10 = arith.constant 8 : i32
    %dma_start3A_11 = tpu.memref_slice %arg2[%dma_start3A_10, %mul3A_2] : memref<200x4096xi32, #tpu.memory_space<hbm>> -> memref<192x128xi32, #tpu.memory_space<hbm>>
    tpu.enqueue_dma source(%dma_start3A_11 : memref<192x128xi32, #tpu.memory_space<hbm>>) target(%dma_start3A_9 : memref<192x128xi32, #tpu.memory_space<vmem>>) target_semaphore(%arg24 : memref<!tpu.dma_semaphore, #tpu.memory_space<semaphore_mem>>)
    %dma_start3A_12 = arith.constant 1 : i32
    %dma_start3A_13 = arith.constant 0 : i32
    %dma_start3A_14 = tpu.memref_slice %arg10[%dma_start3A_12, %dma_start3A_13] : memref<200x128xi32, #tpu.memory_space<vmem>> -> memref<1x128xi32, #tpu.memory_space<vmem>>
    %dma_start3A_15 = tpu.memref_squeeze %dma_start3A_14 : memref<1x128xi32, #tpu.memory_space<vmem>> -> memref<128xi32, #tpu.memory_space<vmem>>
    %dma_start3A_16 = arith.constant 0 : i32
    %dma_start3A_17 = arith.constant 0 : i32
    %dma_start3A_18 = tpu.memref_slice %arg7[%dma_start3A_16, %dma_start3A_17] : memref<100000x128xf32, #tpu.memory_space<hbm>> -> memref<100000x128xf32, #tpu.memory_space<hbm>>
    tpu.enqueue_indirect_dma source(%dma_start3A_18 : memref<100000x128xf32, #tpu.memory_space<hbm>>) target(%arg13 : memref<128x128xf32, #tpu.memory_space<vmem>>) offsets(%dma_start3A_15 : memref<128xi32, #tpu.memory_space<vmem>>) semaphore(%arg19 : memref<!tpu.dma_semaphore, #tpu.memory_space<semaphore_mem>>)
    %dma_start3A_19 = arith.constant 2 : i32
    %dma_start3A_20 = arith.constant 0 : i32
    %dma_start3A_21 = tpu.memref_slice %arg10[%dma_start3A_19, %dma_start3A_20] : memref<200x128xi32, #tpu.memory_space<vmem>> -> memref<1x128xi32, #tpu.memory_space<vmem>>
    %dma_start3A_22 = tpu.memref_squeeze %dma_start3A_21 : memref<1x128xi32, #tpu.memory_space<vmem>> -> memref<128xi32, #tpu.memory_space<vmem>>
    %dma_start3A_23 = arith.constant 0 : i32
    %dma_start3A_24 = arith.constant 0 : i32
    %dma_start3A_25 = tpu.memref_slice %arg7[%dma_start3A_23, %dma_start3A_24] : memref<100000x128xf32, #tpu.memory_space<hbm>> -> memref<100000x128xf32, #tpu.memory_space<hbm>>
    tpu.enqueue_indirect_dma source(%dma_start3A_25 : memref<100000x128xf32, #tpu.memory_space<hbm>>) target(%arg14 : memref<128x128xf32, #tpu.memory_space<vmem>>) offsets(%dma_start3A_22 : memref<128xi32, #tpu.memory_space<vmem>>) semaphore(%arg20 : memref<!tpu.dma_semaphore, #tpu.memory_space<semaphore_mem>>)
    %dma_start3A_26 = arith.constant 3 : i32
    %dma_start3A_27 = arith.constant 0 : i32
    %dma_start3A_28 = tpu.memref_slice %arg10[%dma_start3A_26, %dma_start3A_27] : memref<200x128xi32, #tpu.memory_space<vmem>> -> memref<1x128xi32, #tpu.memory_space<vmem>>
    %dma_start3A_29 = tpu.memref_squeeze %dma_start3A_28 : memref<1x128xi32, #tpu.memory_space<vmem>> -> memref<128xi32, #tpu.memory_space<vmem>>
    %dma_start3A_30 = arith.constant 0 : i32
    %dma_start3A_31 = arith.constant 0 : i32
    %dma_start3A_32 = tpu.memref_slice %arg7[%dma_start3A_30, %dma_start3A_31] : memref<100000x128xf32, #tpu.memory_space<hbm>> -> memref<100000x128xf32, #tpu.memory_space<hbm>>
    tpu.enqueue_indirect_dma source(%dma_start3A_32 : memref<100000x128xf32, #tpu.memory_space<hbm>>) target(%arg15 : memref<128x128xf32, #tpu.memory_space<vmem>>) offsets(%dma_start3A_29 : memref<128xi32, #tpu.memory_space<vmem>>) semaphore(%arg21 : memref<!tpu.dma_semaphore, #tpu.memory_space<semaphore_mem>>)
    %dma_start3A_33 = arith.constant 4 : i32
    %dma_start3A_34 = arith.constant 0 : i32
    %dma_start3A_35 = tpu.memref_slice %arg10[%dma_start3A_33, %dma_start3A_34] : memref<200x128xi32, #tpu.memory_space<vmem>> -> memref<1x128xi32, #tpu.memory_space<vmem>>
    %dma_start3A_36 = tpu.memref_squeeze %dma_start3A_35 : memref<1x128xi32, #tpu.memory_space<vmem>> -> memref<128xi32, #tpu.memory_space<vmem>>
    %dma_start3A_37 = arith.constant 0 : i32
    %dma_start3A_38 = arith.constant 0 : i32
    %dma_start3A_39 = tpu.memref_slice %arg7[%dma_start3A_37, %dma_start3A_38] : memref<100000x128xf32, #tpu.memory_space<hbm>> -> memref<100000x128xf32, #tpu.memory_space<hbm>>
    tpu.enqueue_indirect_dma source(%dma_start3A_39 : memref<100000x128xf32, #tpu.memory_space<hbm>>) target(%arg16 : memref<128x128xf32, #tpu.memory_space<vmem>>) offsets(%dma_start3A_36 : memref<128xi32, #tpu.memory_space<vmem>>) semaphore(%arg22 : memref<!tpu.dma_semaphore, #tpu.memory_space<semaphore_mem>>)
    %dma_start3A_40 = arith.constant 5 : i32
    %dma_start3A_41 = arith.constant 0 : i32
    %dma_start3A_42 = tpu.memref_slice %arg10[%dma_start3A_40, %dma_start3A_41] : memref<200x128xi32, #tpu.memory_space<vmem>> -> memref<1x128xi32, #tpu.memory_space<vmem>>
    %dma_start3A_43 = tpu.memref_squeeze %dma_start3A_42 : memref<1x128xi32, #tpu.memory_space<vmem>> -> memref<128xi32, #tpu.memory_space<vmem>>
    %dma_start3A_44 = arith.constant 0 : i32
    %dma_start3A_45 = arith.constant 0 : i32
    %dma_start3A_46 = tpu.memref_slice %arg7[%dma_start3A_44, %dma_start3A_45] : memref<100000x128xf32, #tpu.memory_space<hbm>> -> memref<100000x128xf32, #tpu.memory_space<hbm>>
    tpu.enqueue_indirect_dma source(%dma_start3A_46 : memref<100000x128xf32, #tpu.memory_space<hbm>>) target(%arg17 : memref<128x128xf32, #tpu.memory_space<vmem>>) offsets(%dma_start3A_43 : memref<128xi32, #tpu.memory_space<vmem>>) semaphore(%arg23 : memref<!tpu.dma_semaphore, #tpu.memory_space<semaphore_mem>>)
    "tpu.region"() ({
      %run_scoped3A = tpu.sem_alloc : memref<!tpu.dma_semaphore, #tpu.memory_space<semaphore_mem>>
      %dma_start3A_185 = tpu.memref_slice %arg3[%mul3A_2] : memref<4096xi32, #tpu.memory_space<hbm>> -> memref<128xi32, #tpu.memory_space<hbm>>
      %dma_start3A_186 = tpu.memref_slice %arg3[%mul3A_2] : memref<4096xi32, #tpu.memory_space<hbm>> -> memref<128xi32, #tpu.memory_space<hbm>>
      tpu.enqueue_dma source(%dma_start3A_186 : memref<128xi32, #tpu.memory_space<hbm>>) target(%arg11 : memref<128xi32, #tpu.memory_space<vmem>>) target_semaphore(%run_scoped3A : memref<!tpu.dma_semaphore, #tpu.memory_space<semaphore_mem>>)
      %dma_wait3A_187 = tpu.memref_slice %arg3[%mul3A_2] : memref<4096xi32, #tpu.memory_space<hbm>> -> memref<128xi32, #tpu.memory_space<hbm>>
      %dma_wait3A_188 = tpu.memref_slice %arg3[%mul3A_2] : memref<4096xi32, #tpu.memory_space<hbm>> -> memref<128xi32, #tpu.memory_space<hbm>>
      tpu.wait_dma2 semaphore(%run_scoped3A : memref<!tpu.dma_semaphore, #tpu.memory_space<semaphore_mem>>) src(%dma_wait3A_188 : memref<128xi32, #tpu.memory_space<hbm>>) dst(%arg11 : memref<128xi32, #tpu.memory_space<vmem>>)
      tpu.yield
    }) : () -> ()
    "tpu.region"() ({
      %run_scoped3A = tpu.sem_alloc : memref<!tpu.dma_semaphore, #tpu.memory_space<semaphore_mem>>
      %dma_start3A_185 = arith.constant 0 : i32
      %dma_start3A_186 = arith.constant 0 : i32
      %dma_start3A_187 = tpu.memref_slice %arg6[%dma_start3A_185, %dma_start3A_186] : memref<100000x128xf32, #tpu.memory_space<hbm>> -> memref<100000x128xf32, #tpu.memory_space<hbm>>
      tpu.enqueue_indirect_dma source(%dma_start3A_187 : memref<100000x128xf32, #tpu.memory_space<hbm>>) target(%arg12 : memref<128x128xf32, #tpu.memory_space<vmem>>) offsets(%arg11 : memref<128xi32, #tpu.memory_space<vmem>>) semaphore(%run_scoped3A : memref<!tpu.dma_semaphore, #tpu.memory_space<semaphore_mem>>)
      %dma_wait3A_188 = arith.constant 0 : i32
      %dma_wait3A_189 = arith.constant 0 : i32
      %dma_wait3A_190 = tpu.memref_slice %arg6[%dma_wait3A_188, %dma_wait3A_189] : memref<100000x128xf32, #tpu.memory_space<hbm>> -> memref<100000x128xf32, #tpu.memory_space<hbm>>
      tpu.wait_indirect_dma semaphore(%run_scoped3A : memref<!tpu.dma_semaphore, #tpu.memory_space<semaphore_mem>>) src(%dma_wait3A_190 : memref<100000x128xf32, #tpu.memory_space<hbm>>) dst(%arg12 : memref<128x128xf32, #tpu.memory_space<vmem>>)
      tpu.yield
    }) : () -> ()
    "tpu.region"() ({
      %run_scoped3A = tpu.sem_alloc : memref<!tpu.dma_semaphore, #tpu.memory_space<semaphore_mem>>
      %dma_start3A_185 = arith.constant 0 : i32
      %dma_start3A_186 = tpu.memref_slice %arg9[%mul3A_2, %dma_start3A_185] : memref<4096x1152xf32, #tpu.memory_space<hbm>> -> memref<128x128xf32, #tpu.memory_space<hbm>>
      %dma_start3A_187 = arith.constant 0 : i32
      %dma_start3A_188 = tpu.memref_slice %arg9[%mul3A_2, %dma_start3A_187] : memref<4096x1152xf32, #tpu.memory_space<hbm>> -> memref<128x128xf32, #tpu.memory_space<hbm>>
      tpu.enqueue_dma source(%arg12 : memref<128x128xf32, #tpu.memory_space<vmem>>) target(%dma_start3A_188 : memref<128x128xf32, #tpu.memory_space<hbm>>) target_semaphore(%run_scoped3A : memref<!tpu.dma_semaphore, #tpu.memory_space<semaphore_mem>>)
      %dma_wait3A_189 = arith.constant 0 : i32
      %dma_wait3A_190 = tpu.memref_slice %arg9[%mul3A_2, %dma_wait3A_189] : memref<4096x1152xf32, #tpu.memory_space<hbm>> -> memref<128x128xf32, #tpu.memory_space<hbm>>
      %dma_wait3A_191 = arith.constant 0 : i32
      %dma_wait3A_192 = tpu.memref_slice %arg9[%mul3A_2, %dma_wait3A_191] : memref<4096x1152xf32, #tpu.memory_space<hbm>> -> memref<128x128xf32, #tpu.memory_space<hbm>>
      tpu.wait_dma2 semaphore(%run_scoped3A : memref<!tpu.dma_semaphore, #tpu.memory_space<semaphore_mem>>) src(%arg12 : memref<128x128xf32, #tpu.memory_space<vmem>>) dst(%dma_wait3A_192 : memref<128x128xf32, #tpu.memory_space<hbm>>)
      tpu.yield
    }) : () -> ()
    "tpu.region"() ({
      %run_scoped3A = tpu.sem_alloc : memref<!tpu.dma_semaphore, #tpu.memory_space<semaphore_mem>>
      %dma_start3A_185 = tpu.memref_slice %arg4[%mul3A_2] : memref<4096xi32, #tpu.memory_space<hbm>> -> memref<128xi32, #tpu.memory_space<hbm>>
      %dma_start3A_186 = tpu.memref_slice %arg4[%mul3A_2] : memref<4096xi32, #tpu.memory_space<hbm>> -> memref<128xi32, #tpu.memory_space<hbm>>
      tpu.enqueue_dma source(%dma_start3A_186 : memref<128xi32, #tpu.memory_space<hbm>>) target(%arg11 : memref<128xi32, #tpu.memory_space<vmem>>) target_semaphore(%run_scoped3A : memref<!tpu.dma_semaphore, #tpu.memory_space<semaphore_mem>>)
      %dma_wait3A_187 = tpu.memref_slice %arg4[%mul3A_2] : memref<4096xi32, #tpu.memory_space<hbm>> -> memref<128xi32, #tpu.memory_space<hbm>>
      %dma_wait3A_188 = tpu.memref_slice %arg4[%mul3A_2] : memref<4096xi32, #tpu.memory_space<hbm>> -> memref<128xi32, #tpu.memory_space<hbm>>
      tpu.wait_dma2 semaphore(%run_scoped3A : memref<!tpu.dma_semaphore, #tpu.memory_space<semaphore_mem>>) src(%dma_wait3A_188 : memref<128xi32, #tpu.memory_space<hbm>>) dst(%arg11 : memref<128xi32, #tpu.memory_space<vmem>>)
      tpu.yield
    }) : () -> ()
    "tpu.region"() ({
      %run_scoped3A = tpu.sem_alloc : memref<!tpu.dma_semaphore, #tpu.memory_space<semaphore_mem>>
      %dma_start3A_185 = arith.constant 0 : i32
      %dma_start3A_186 = arith.constant 0 : i32
      %dma_start3A_187 = tpu.memref_slice %arg7[%dma_start3A_185, %dma_start3A_186] : memref<100000x128xf32, #tpu.memory_space<hbm>> -> memref<100000x128xf32, #tpu.memory_space<hbm>>
      tpu.enqueue_indirect_dma source(%dma_start3A_187 : memref<100000x128xf32, #tpu.memory_space<hbm>>) target(%arg12 : memref<128x128xf32, #tpu.memory_space<vmem>>) offsets(%arg11 : memref<128xi32, #tpu.memory_space<vmem>>) semaphore(%run_scoped3A : memref<!tpu.dma_semaphore, #tpu.memory_space<semaphore_mem>>)
      %dma_wait3A_188 = arith.constant 0 : i32
      %dma_wait3A_189 = arith.constant 0 : i32
      %dma_wait3A_190 = tpu.memref_slice %arg7[%dma_wait3A_188, %dma_wait3A_189] : memref<100000x128xf32, #tpu.memory_space<hbm>> -> memref<100000x128xf32, #tpu.memory_space<hbm>>
      tpu.wait_indirect_dma semaphore(%run_scoped3A : memref<!tpu.dma_semaphore, #tpu.memory_space<semaphore_mem>>) src(%dma_wait3A_190 : memref<100000x128xf32, #tpu.memory_space<hbm>>) dst(%arg12 : memref<128x128xf32, #tpu.memory_space<vmem>>)
      tpu.yield
    }) : () -> ()
    "tpu.region"() ({
      %run_scoped3A = tpu.sem_alloc : memref<!tpu.dma_semaphore, #tpu.memory_space<semaphore_mem>>
      %dma_start3A_185 = arith.constant 128 : i32
      %dma_start3A_186 = tpu.memref_slice %arg9[%mul3A_2, %dma_start3A_185] : memref<4096x1152xf32, #tpu.memory_space<hbm>> -> memref<128x128xf32, #tpu.memory_space<hbm>>
      %dma_start3A_187 = arith.constant 128 : i32
      %dma_start3A_188 = tpu.memref_slice %arg9[%mul3A_2, %dma_start3A_187] : memref<4096x1152xf32, #tpu.memory_space<hbm>> -> memref<128x128xf32, #tpu.memory_space<hbm>>
      tpu.enqueue_dma source(%arg12 : memref<128x128xf32, #tpu.memory_space<vmem>>) target(%dma_start3A_188 : memref<128x128xf32, #tpu.memory_space<hbm>>) target_semaphore(%run_scoped3A : memref<!tpu.dma_semaphore, #tpu.memory_space<semaphore_mem>>)
      %dma_wait3A_189 = arith.constant 128 : i32
      %dma_wait3A_190 = tpu.memref_slice %arg9[%mul3A_2, %dma_wait3A_189] : memref<4096x1152xf32, #tpu.memory_space<hbm>> -> memref<128x128xf32, #tpu.memory_space<hbm>>
      %dma_wait3A_191 = arith.constant 128 : i32
      %dma_wait3A_192 = tpu.memref_slice %arg9[%mul3A_2, %dma_wait3A_191] : memref<4096x1152xf32, #tpu.memory_space<hbm>> -> memref<128x128xf32, #tpu.memory_space<hbm>>
      tpu.wait_dma2 semaphore(%run_scoped3A : memref<!tpu.dma_semaphore, #tpu.memory_space<semaphore_mem>>) src(%arg12 : memref<128x128xf32, #tpu.memory_space<vmem>>) dst(%dma_wait3A_192 : memref<128x128xf32, #tpu.memory_space<hbm>>)
      tpu.yield
    }) : () -> ()
    "tpu.region"() ({
      %run_scoped3A = tpu.sem_alloc : memref<!tpu.dma_semaphore, #tpu.memory_space<semaphore_mem>>
      %dma_start3A_185 = tpu.memref_slice %arg5[%mul3A_2] : memref<4096xi32, #tpu.memory_space<hbm>> -> memref<128xi32, #tpu.memory_space<hbm>>
      %dma_start3A_186 = tpu.memref_slice %arg5[%mul3A_2] : memref<4096xi32, #tpu.memory_space<hbm>> -> memref<128xi32, #tpu.memory_space<hbm>>
      tpu.enqueue_dma source(%dma_start3A_186 : memref<128xi32, #tpu.memory_space<hbm>>) target(%arg11 : memref<128xi32, #tpu.memory_space<vmem>>) target_semaphore(%run_scoped3A : memref<!tpu.dma_semaphore, #tpu.memory_space<semaphore_mem>>)
      %dma_wait3A_187 = tpu.memref_slice %arg5[%mul3A_2] : memref<4096xi32, #tpu.memory_space<hbm>> -> memref<128xi32, #tpu.memory_space<hbm>>
      %dma_wait3A_188 = tpu.memref_slice %arg5[%mul3A_2] : memref<4096xi32, #tpu.memory_space<hbm>> -> memref<128xi32, #tpu.memory_space<hbm>>
      tpu.wait_dma2 semaphore(%run_scoped3A : memref<!tpu.dma_semaphore, #tpu.memory_space<semaphore_mem>>) src(%dma_wait3A_188 : memref<128xi32, #tpu.memory_space<hbm>>) dst(%arg11 : memref<128xi32, #tpu.memory_space<vmem>>)
      tpu.yield
    }) : () -> ()
    "tpu.region"() ({
      %run_scoped3A = tpu.sem_alloc : memref<!tpu.dma_semaphore, #tpu.memory_space<semaphore_mem>>
      %dma_start3A_185 = arith.constant 0 : i32
      %dma_start3A_186 = arith.constant 0 : i32
      %dma_start3A_187 = tpu.memref_slice %arg8[%dma_start3A_185, %dma_start3A_186] : memref<1000x128xf32, #tpu.memory_space<hbm>> -> memref<1000x128xf32, #tpu.memory_space<hbm>>
      tpu.enqueue_indirect_dma source(%dma_start3A_187 : memref<1000x128xf32, #tpu.memory_space<hbm>>) target(%arg12 : memref<128x128xf32, #tpu.memory_space<vmem>>) offsets(%arg11 : memref<128xi32, #tpu.memory_space<vmem>>) semaphore(%run_scoped3A : memref<!tpu.dma_semaphore, #tpu.memory_space<semaphore_mem>>)
      %dma_wait3A_188 = arith.constant 0 : i32
      %dma_wait3A_189 = arith.constant 0 : i32
      %dma_wait3A_190 = tpu.memref_slice %arg8[%dma_wait3A_188, %dma_wait3A_189] : memref<1000x128xf32, #tpu.memory_space<hbm>> -> memref<1000x128xf32, #tpu.memory_space<hbm>>
      tpu.wait_indirect_dma semaphore(%run_scoped3A : memref<!tpu.dma_semaphore, #tpu.memory_space<semaphore_mem>>) src(%dma_wait3A_190 : memref<1000x128xf32, #tpu.memory_space<hbm>>) dst(%arg12 : memref<128x128xf32, #tpu.memory_space<vmem>>)
      tpu.yield
    }) : () -> ()
    "tpu.region"() ({
      %run_scoped3A = tpu.sem_alloc : memref<!tpu.dma_semaphore, #tpu.memory_space<semaphore_mem>>
      %dma_start3A_185 = arith.constant 256 : i32
      %dma_start3A_186 = tpu.memref_slice %arg9[%mul3A_2, %dma_start3A_185] : memref<4096x1152xf32, #tpu.memory_space<hbm>> -> memref<128x128xf32, #tpu.memory_space<hbm>>
      %dma_start3A_187 = arith.constant 256 : i32
      %dma_start3A_188 = tpu.memref_slice %arg9[%mul3A_2, %dma_start3A_187] : memref<4096x1152xf32, #tpu.memory_space<hbm>> -> memref<128x128xf32, #tpu.memory_space<hbm>>
      tpu.enqueue_dma source(%arg12 : memref<128x128xf32, #tpu.memory_space<vmem>>) target(%dma_start3A_188 : memref<128x128xf32, #tpu.memory_space<hbm>>) target_semaphore(%run_scoped3A : memref<!tpu.dma_semaphore, #tpu.memory_space<semaphore_mem>>)
      %dma_wait3A_189 = arith.constant 256 : i32
      %dma_wait3A_190 = tpu.memref_slice %arg9[%mul3A_2, %dma_wait3A_189] : memref<4096x1152xf32, #tpu.memory_space<hbm>> -> memref<128x128xf32, #tpu.memory_space<hbm>>
      %dma_wait3A_191 = arith.constant 256 : i32
      %dma_wait3A_192 = tpu.memref_slice %arg9[%mul3A_2, %dma_wait3A_191] : memref<4096x1152xf32, #tpu.memory_space<hbm>> -> memref<128x128xf32, #tpu.memory_space<hbm>>
      tpu.wait_dma2 semaphore(%run_scoped3A : memref<!tpu.dma_semaphore, #tpu.memory_space<semaphore_mem>>) src(%arg12 : memref<128x128xf32, #tpu.memory_space<vmem>>) dst(%dma_wait3A_192 : memref<128x128xf32, #tpu.memory_space<hbm>>)
      tpu.yield
    }) : () -> ()
    %dma_start3A_47 = arith.constant 0 : i32
    %dma_start3A_48 = arith.constant 0 : i32
    %dma_start3A_49 = tpu.memref_slice %arg10[%dma_start3A_47, %dma_start3A_48] : memref<200x128xi32, #tpu.memory_space<vmem>> -> memref<1x128xi32, #tpu.memory_space<vmem>>
    %dma_start3A_50 = tpu.memref_squeeze %dma_start3A_49 : memref<1x128xi32, #tpu.memory_space<vmem>> -> memref<128xi32, #tpu.memory_space<vmem>>
    %dma_start3A_51 = arith.constant 0 : i32
    %dma_start3A_52 = arith.constant 0 : i32
    %dma_start3A_53 = tpu.memref_slice %arg7[%dma_start3A_51, %dma_start3A_52] : memref<100000x128xf32, #tpu.memory_space<hbm>> -> memref<100000x128xf32, #tpu.memory_space<hbm>>
    tpu.enqueue_indirect_dma source(%dma_start3A_53 : memref<100000x128xf32, #tpu.memory_space<hbm>>) target(%arg12 : memref<128x128xf32, #tpu.memory_space<vmem>>) offsets(%dma_start3A_50 : memref<128xi32, #tpu.memory_space<vmem>>) semaphore(%arg18 : memref<!tpu.dma_semaphore, #tpu.memory_space<semaphore_mem>>)
    %dma_wait3A = arith.constant 8 : i32
    %dma_wait3A_54 = arith.constant 0 : i32
    %dma_wait3A_55 = tpu.memref_slice %arg10[%dma_wait3A, %dma_wait3A_54] : memref<200x128xi32, #tpu.memory_space<vmem>> -> memref<192x128xi32, #tpu.memory_space<vmem>>
    %dma_wait3A_56 = arith.constant 8 : i32
    %dma_wait3A_57 = tpu.memref_slice %arg2[%dma_wait3A_56, %mul3A_2] : memref<200x4096xi32, #tpu.memory_space<hbm>> -> memref<192x128xi32, #tpu.memory_space<hbm>>
    %dma_wait3A_58 = arith.constant 8 : i32
    %dma_wait3A_59 = arith.constant 0 : i32
    %dma_wait3A_60 = tpu.memref_slice %arg10[%dma_wait3A_58, %dma_wait3A_59] : memref<200x128xi32, #tpu.memory_space<vmem>> -> memref<192x128xi32, #tpu.memory_space<vmem>>
    %dma_wait3A_61 = arith.constant 8 : i32
    %dma_wait3A_62 = tpu.memref_slice %arg2[%dma_wait3A_61, %mul3A_2] : memref<200x4096xi32, #tpu.memory_space<hbm>> -> memref<192x128xi32, #tpu.memory_space<hbm>>
    tpu.wait_dma2 semaphore(%arg24 : memref<!tpu.dma_semaphore, #tpu.memory_space<semaphore_mem>>) src(%dma_wait3A_62 : memref<192x128xi32, #tpu.memory_space<hbm>>) dst(%dma_wait3A_60 : memref<192x128xi32, #tpu.memory_space<vmem>>)
    %scan3A = arith.constant 0 : i32
    %scan3A_63 = arith.constant 32 : i32
    %scan3A_64 = arith.addi %scan3A, %scan3A_63 : i32
    %scan3A_65 = arith.constant 1 : i32
    scf.for %scan3A_185 = %scan3A to %scan3A_64 step %scan3A_65  : i32 {
      %mul3A_186 = arith.constant 6 : i32
      %mul3A_187 = arith.muli %scan3A_185, %mul3A_186 : i32
      %add3A_188 = arith.constant 6 : i32
      %add3A_189 = arith.addi %add3A_188, %mul3A_187 : i32
      %add3A_190 = arith.constant 0 : i32
      %add3A_191 = arith.addi %add3A_189, %add3A_190 : i32
      %dma_wait3A_192 = arith.constant 0 : i32
      %dma_wait3A_193 = tpu.memref_slice %arg10[%add3A_191, %dma_wait3A_192] : memref<200x128xi32, #tpu.memory_space<vmem>> -> memref<1x128xi32, #tpu.memory_space<vmem>>
      %dma_wait3A_194 = tpu.memref_squeeze %dma_wait3A_193 : memref<1x128xi32, #tpu.memory_space<vmem>> -> memref<128xi32, #tpu.memory_space<vmem>>
      %dma_wait3A_195 = arith.constant 0 : i32
      %dma_wait3A_196 = arith.constant 0 : i32
      %dma_wait3A_197 = tpu.memref_slice %arg7[%dma_wait3A_195, %dma_wait3A_196] : memref<100000x128xf32, #tpu.memory_space<hbm>> -> memref<100000x128xf32, #tpu.memory_space<hbm>>
      tpu.wait_indirect_dma semaphore(%arg18 : memref<!tpu.dma_semaphore, #tpu.memory_space<semaphore_mem>>) src(%dma_wait3A_197 : memref<100000x128xf32, #tpu.memory_space<hbm>>) dst(%arg12 : memref<128x128xf32, #tpu.memory_space<vmem>>)
      %add3A_198 = arith.constant 0 : i32
      %add3A_199 = arith.addi %add3A_189, %add3A_198 : i32
      %dma_start3A_200 = arith.constant 0 : i32
      %dma_start3A_201 = tpu.memref_slice %arg10[%add3A_199, %dma_start3A_200] : memref<200x128xi32, #tpu.memory_space<vmem>> -> memref<1x128xi32, #tpu.memory_space<vmem>>
      %dma_start3A_202 = tpu.memref_squeeze %dma_start3A_201 : memref<1x128xi32, #tpu.memory_space<vmem>> -> memref<128xi32, #tpu.memory_space<vmem>>
      %dma_start3A_203 = arith.constant 0 : i32
      %dma_start3A_204 = arith.constant 0 : i32
      %dma_start3A_205 = tpu.memref_slice %arg7[%dma_start3A_203, %dma_start3A_204] : memref<100000x128xf32, #tpu.memory_space<hbm>> -> memref<100000x128xf32, #tpu.memory_space<hbm>>
      tpu.enqueue_indirect_dma source(%dma_start3A_205 : memref<100000x128xf32, #tpu.memory_space<hbm>>) target(%arg12 : memref<128x128xf32, #tpu.memory_space<vmem>>) offsets(%dma_start3A_202 : memref<128xi32, #tpu.memory_space<vmem>>) semaphore(%arg18 : memref<!tpu.dma_semaphore, #tpu.memory_space<semaphore_mem>>) {add = true}
      %add3A_206 = arith.constant 1 : i32
      %add3A_207 = arith.addi %add3A_189, %add3A_206 : i32
      %dma_wait3A_208 = arith.constant 0 : i32
      %dma_wait3A_209 = tpu.memref_slice %arg10[%add3A_207, %dma_wait3A_208] : memref<200x128xi32, #tpu.memory_space<vmem>> -> memref<1x128xi32, #tpu.memory_space<vmem>>
      %dma_wait3A_210 = tpu.memref_squeeze %dma_wait3A_209 : memref<1x128xi32, #tpu.memory_space<vmem>> -> memref<128xi32, #tpu.memory_space<vmem>>
      %dma_wait3A_211 = arith.constant 0 : i32
      %dma_wait3A_212 = arith.constant 0 : i32
      %dma_wait3A_213 = tpu.memref_slice %arg7[%dma_wait3A_211, %dma_wait3A_212] : memref<100000x128xf32, #tpu.memory_space<hbm>> -> memref<100000x128xf32, #tpu.memory_space<hbm>>
      tpu.wait_indirect_dma semaphore(%arg19 : memref<!tpu.dma_semaphore, #tpu.memory_space<semaphore_mem>>) src(%dma_wait3A_213 : memref<100000x128xf32, #tpu.memory_space<hbm>>) dst(%arg13 : memref<128x128xf32, #tpu.memory_space<vmem>>)
      %add3A_214 = arith.constant 1 : i32
      %add3A_215 = arith.addi %add3A_189, %add3A_214 : i32
      %dma_start3A_216 = arith.constant 0 : i32
      %dma_start3A_217 = tpu.memref_slice %arg10[%add3A_215, %dma_start3A_216] : memref<200x128xi32, #tpu.memory_space<vmem>> -> memref<1x128xi32, #tpu.memory_space<vmem>>
      %dma_start3A_218 = tpu.memref_squeeze %dma_start3A_217 : memref<1x128xi32, #tpu.memory_space<vmem>> -> memref<128xi32, #tpu.memory_space<vmem>>
      %dma_start3A_219 = arith.constant 0 : i32
      %dma_start3A_220 = arith.constant 0 : i32
      %dma_start3A_221 = tpu.memref_slice %arg7[%dma_start3A_219, %dma_start3A_220] : memref<100000x128xf32, #tpu.memory_space<hbm>> -> memref<100000x128xf32, #tpu.memory_space<hbm>>
      tpu.enqueue_indirect_dma source(%dma_start3A_221 : memref<100000x128xf32, #tpu.memory_space<hbm>>) target(%arg13 : memref<128x128xf32, #tpu.memory_space<vmem>>) offsets(%dma_start3A_218 : memref<128xi32, #tpu.memory_space<vmem>>) semaphore(%arg19 : memref<!tpu.dma_semaphore, #tpu.memory_space<semaphore_mem>>) {add = true}
      %add3A_222 = arith.constant 2 : i32
      %add3A_223 = arith.addi %add3A_189, %add3A_222 : i32
      %dma_wait3A_224 = arith.constant 0 : i32
      %dma_wait3A_225 = tpu.memref_slice %arg10[%add3A_223, %dma_wait3A_224] : memref<200x128xi32, #tpu.memory_space<vmem>> -> memref<1x128xi32, #tpu.memory_space<vmem>>
      %dma_wait3A_226 = tpu.memref_squeeze %dma_wait3A_225 : memref<1x128xi32, #tpu.memory_space<vmem>> -> memref<128xi32, #tpu.memory_space<vmem>>
      %dma_wait3A_227 = arith.constant 0 : i32
      %dma_wait3A_228 = arith.constant 0 : i32
      %dma_wait3A_229 = tpu.memref_slice %arg7[%dma_wait3A_227, %dma_wait3A_228] : memref<100000x128xf32, #tpu.memory_space<hbm>> -> memref<100000x128xf32, #tpu.memory_space<hbm>>
      tpu.wait_indirect_dma semaphore(%arg20 : memref<!tpu.dma_semaphore, #tpu.memory_space<semaphore_mem>>) src(%dma_wait3A_229 : memref<100000x128xf32, #tpu.memory_space<hbm>>) dst(%arg14 : memref<128x128xf32, #tpu.memory_space<vmem>>)
      %add3A_230 = arith.constant 2 : i32
      %add3A_231 = arith.addi %add3A_189, %add3A_230 : i32
      %dma_start3A_232 = arith.constant 0 : i32
      %dma_start3A_233 = tpu.memref_slice %arg10[%add3A_231, %dma_start3A_232] : memref<200x128xi32, #tpu.memory_space<vmem>> -> memref<1x128xi32, #tpu.memory_space<vmem>>
      %dma_start3A_234 = tpu.memref_squeeze %dma_start3A_233 : memref<1x128xi32, #tpu.memory_space<vmem>> -> memref<128xi32, #tpu.memory_space<vmem>>
      %dma_start3A_235 = arith.constant 0 : i32
      %dma_start3A_236 = arith.constant 0 : i32
      %dma_start3A_237 = tpu.memref_slice %arg7[%dma_start3A_235, %dma_start3A_236] : memref<100000x128xf32, #tpu.memory_space<hbm>> -> memref<100000x128xf32, #tpu.memory_space<hbm>>
      tpu.enqueue_indirect_dma source(%dma_start3A_237 : memref<100000x128xf32, #tpu.memory_space<hbm>>) target(%arg14 : memref<128x128xf32, #tpu.memory_space<vmem>>) offsets(%dma_start3A_234 : memref<128xi32, #tpu.memory_space<vmem>>) semaphore(%arg20 : memref<!tpu.dma_semaphore, #tpu.memory_space<semaphore_mem>>) {add = true}
      %add3A_238 = arith.constant 3 : i32
      %add3A_239 = arith.addi %add3A_189, %add3A_238 : i32
      %dma_wait3A_240 = arith.constant 0 : i32
      %dma_wait3A_241 = tpu.memref_slice %arg10[%add3A_239, %dma_wait3A_240] : memref<200x128xi32, #tpu.memory_space<vmem>> -> memref<1x128xi32, #tpu.memory_space<vmem>>
      %dma_wait3A_242 = tpu.memref_squeeze %dma_wait3A_241 : memref<1x128xi32, #tpu.memory_space<vmem>> -> memref<128xi32, #tpu.memory_space<vmem>>
      %dma_wait3A_243 = arith.constant 0 : i32
      %dma_wait3A_244 = arith.constant 0 : i32
      %dma_wait3A_245 = tpu.memref_slice %arg7[%dma_wait3A_243, %dma_wait3A_244] : memref<100000x128xf32, #tpu.memory_space<hbm>> -> memref<100000x128xf32, #tpu.memory_space<hbm>>
      tpu.wait_indirect_dma semaphore(%arg21 : memref<!tpu.dma_semaphore, #tpu.memory_space<semaphore_mem>>) src(%dma_wait3A_245 : memref<100000x128xf32, #tpu.memory_space<hbm>>) dst(%arg15 : memref<128x128xf32, #tpu.memory_space<vmem>>)
      %add3A_246 = arith.constant 3 : i32
      %add3A_247 = arith.addi %add3A_189, %add3A_246 : i32
      %dma_start3A_248 = arith.constant 0 : i32
      %dma_start3A_249 = tpu.memref_slice %arg10[%add3A_247, %dma_start3A_248] : memref<200x128xi32, #tpu.memory_space<vmem>> -> memref<1x128xi32, #tpu.memory_space<vmem>>
      %dma_start3A_250 = tpu.memref_squeeze %dma_start3A_249 : memref<1x128xi32, #tpu.memory_space<vmem>> -> memref<128xi32, #tpu.memory_space<vmem>>
      %dma_start3A_251 = arith.constant 0 : i32
      %dma_start3A_252 = arith.constant 0 : i32
      %dma_start3A_253 = tpu.memref_slice %arg7[%dma_start3A_251, %dma_start3A_252] : memref<100000x128xf32, #tpu.memory_space<hbm>> -> memref<100000x128xf32, #tpu.memory_space<hbm>>
      tpu.enqueue_indirect_dma source(%dma_start3A_253 : memref<100000x128xf32, #tpu.memory_space<hbm>>) target(%arg15 : memref<128x128xf32, #tpu.memory_space<vmem>>) offsets(%dma_start3A_250 : memref<128xi32, #tpu.memory_space<vmem>>) semaphore(%arg21 : memref<!tpu.dma_semaphore, #tpu.memory_space<semaphore_mem>>) {add = true}
      %add3A_254 = arith.constant 4 : i32
      %add3A_255 = arith.addi %add3A_189, %add3A_254 : i32
      %dma_wait3A_256 = arith.constant 0 : i32
      %dma_wait3A_257 = tpu.memref_slice %arg10[%add3A_255, %dma_wait3A_256] : memref<200x128xi32, #tpu.memory_space<vmem>> -> memref<1x128xi32, #tpu.memory_space<vmem>>
      %dma_wait3A_258 = tpu.memref_squeeze %dma_wait3A_257 : memref<1x128xi32, #tpu.memory_space<vmem>> -> memref<128xi32, #tpu.memory_space<vmem>>
      %dma_wait3A_259 = arith.constant 0 : i32
      %dma_wait3A_260 = arith.constant 0 : i32
      %dma_wait3A_261 = tpu.memref_slice %arg7[%dma_wait3A_259, %dma_wait3A_260] : memref<100000x128xf32, #tpu.memory_space<hbm>> -> memref<100000x128xf32, #tpu.memory_space<hbm>>
      tpu.wait_indirect_dma semaphore(%arg22 : memref<!tpu.dma_semaphore, #tpu.memory_space<semaphore_mem>>) src(%dma_wait3A_261 : memref<100000x128xf32, #tpu.memory_space<hbm>>) dst(%arg16 : memref<128x128xf32, #tpu.memory_space<vmem>>)
      %add3A_262 = arith.constant 4 : i32
      %add3A_263 = arith.addi %add3A_189, %add3A_262 : i32
      %dma_start3A_264 = arith.constant 0 : i32
      %dma_start3A_265 = tpu.memref_slice %arg10[%add3A_263, %dma_start3A_264] : memref<200x128xi32, #tpu.memory_space<vmem>> -> memref<1x128xi32, #tpu.memory_space<vmem>>
      %dma_start3A_266 = tpu.memref_squeeze %dma_start3A_265 : memref<1x128xi32, #tpu.memory_space<vmem>> -> memref<128xi32, #tpu.memory_space<vmem>>
      %dma_start3A_267 = arith.constant 0 : i32
      %dma_start3A_268 = arith.constant 0 : i32
      %dma_start3A_269 = tpu.memref_slice %arg7[%dma_start3A_267, %dma_start3A_268] : memref<100000x128xf32, #tpu.memory_space<hbm>> -> memref<100000x128xf32, #tpu.memory_space<hbm>>
      tpu.enqueue_indirect_dma source(%dma_start3A_269 : memref<100000x128xf32, #tpu.memory_space<hbm>>) target(%arg16 : memref<128x128xf32, #tpu.memory_space<vmem>>) offsets(%dma_start3A_266 : memref<128xi32, #tpu.memory_space<vmem>>) semaphore(%arg22 : memref<!tpu.dma_semaphore, #tpu.memory_space<semaphore_mem>>) {add = true}
      %add3A_270 = arith.constant 5 : i32
      %add3A_271 = arith.addi %add3A_189, %add3A_270 : i32
      %dma_wait3A_272 = arith.constant 0 : i32
      %dma_wait3A_273 = tpu.memref_slice %arg10[%add3A_271, %dma_wait3A_272] : memref<200x128xi32, #tpu.memory_space<vmem>> -> memref<1x128xi32, #tpu.memory_space<vmem>>
      %dma_wait3A_274 = tpu.memref_squeeze %dma_wait3A_273 : memref<1x128xi32, #tpu.memory_space<vmem>> -> memref<128xi32, #tpu.memory_space<vmem>>
      %dma_wait3A_275 = arith.constant 0 : i32
      %dma_wait3A_276 = arith.constant 0 : i32
      %dma_wait3A_277 = tpu.memref_slice %arg7[%dma_wait3A_275, %dma_wait3A_276] : memref<100000x128xf32, #tpu.memory_space<hbm>> -> memref<100000x128xf32, #tpu.memory_space<hbm>>
      tpu.wait_indirect_dma semaphore(%arg23 : memref<!tpu.dma_semaphore, #tpu.memory_space<semaphore_mem>>) src(%dma_wait3A_277 : memref<100000x128xf32, #tpu.memory_space<hbm>>) dst(%arg17 : memref<128x128xf32, #tpu.memory_space<vmem>>)
      %add3A_278 = arith.constant 5 : i32
      %add3A_279 = arith.addi %add3A_189, %add3A_278 : i32
      %dma_start3A_280 = arith.constant 0 : i32
      %dma_start3A_281 = tpu.memref_slice %arg10[%add3A_279, %dma_start3A_280] : memref<200x128xi32, #tpu.memory_space<vmem>> -> memref<1x128xi32, #tpu.memory_space<vmem>>
      %dma_start3A_282 = tpu.memref_squeeze %dma_start3A_281 : memref<1x128xi32, #tpu.memory_space<vmem>> -> memref<128xi32, #tpu.memory_space<vmem>>
      %dma_start3A_283 = arith.constant 0 : i32
      %dma_start3A_284 = arith.constant 0 : i32
      %dma_start3A_285 = tpu.memref_slice %arg7[%dma_start3A_283, %dma_start3A_284] : memref<100000x128xf32, #tpu.memory_space<hbm>> -> memref<100000x128xf32, #tpu.memory_space<hbm>>
      tpu.enqueue_indirect_dma source(%dma_start3A_285 : memref<100000x128xf32, #tpu.memory_space<hbm>>) target(%arg17 : memref<128x128xf32, #tpu.memory_space<vmem>>) offsets(%dma_start3A_282 : memref<128xi32, #tpu.memory_space<vmem>>) semaphore(%arg23 : memref<!tpu.dma_semaphore, #tpu.memory_space<semaphore_mem>>) {add = true}
    }
    %scan3A_66 = arith.constant 32 : i32
    %dma_wait3A_67 = arith.constant 0 : i32
    %dma_wait3A_68 = arith.constant 0 : i32
    %dma_wait3A_69 = tpu.memref_slice %arg10[%dma_wait3A_67, %dma_wait3A_68] : memref<200x128xi32, #tpu.memory_space<vmem>> -> memref<1x128xi32, #tpu.memory_space<vmem>>
    %dma_wait3A_70 = tpu.memref_squeeze %dma_wait3A_69 : memref<1x128xi32, #tpu.memory_space<vmem>> -> memref<128xi32, #tpu.memory_space<vmem>>
    %dma_wait3A_71 = arith.constant 0 : i32
    %dma_wait3A_72 = arith.constant 0 : i32
    %dma_wait3A_73 = tpu.memref_slice %arg7[%dma_wait3A_71, %dma_wait3A_72] : memref<100000x128xf32, #tpu.memory_space<hbm>> -> memref<100000x128xf32, #tpu.memory_space<hbm>>
    tpu.wait_indirect_dma semaphore(%arg18 : memref<!tpu.dma_semaphore, #tpu.memory_space<semaphore_mem>>) src(%dma_wait3A_73 : memref<100000x128xf32, #tpu.memory_space<hbm>>) dst(%arg12 : memref<128x128xf32, #tpu.memory_space<vmem>>)
    %dma_start3A_74 = arith.constant 198 : i32
    %dma_start3A_75 = arith.constant 0 : i32
    %dma_start3A_76 = tpu.memref_slice %arg10[%dma_start3A_74, %dma_start3A_75] : memref<200x128xi32, #tpu.memory_space<vmem>> -> memref<1x128xi32, #tpu.memory_space<vmem>>
    %dma_start3A_77 = tpu.memref_squeeze %dma_start3A_76 : memref<1x128xi32, #tpu.memory_space<vmem>> -> memref<128xi32, #tpu.memory_space<vmem>>
    %dma_start3A_78 = arith.constant 0 : i32
    %dma_start3A_79 = arith.constant 0 : i32
    %dma_start3A_80 = tpu.memref_slice %arg7[%dma_start3A_78, %dma_start3A_79] : memref<100000x128xf32, #tpu.memory_space<hbm>> -> memref<100000x128xf32, #tpu.memory_space<hbm>>
    tpu.enqueue_indirect_dma source(%dma_start3A_80 : memref<100000x128xf32, #tpu.memory_space<hbm>>) target(%arg12 : memref<128x128xf32, #tpu.memory_space<vmem>>) offsets(%dma_start3A_77 : memref<128xi32, #tpu.memory_space<vmem>>) semaphore(%arg18 : memref<!tpu.dma_semaphore, #tpu.memory_space<semaphore_mem>>) {add = true}
    %dma_wait3A_81 = arith.constant 1 : i32
    %dma_wait3A_82 = arith.constant 0 : i32
    %dma_wait3A_83 = tpu.memref_slice %arg10[%dma_wait3A_81, %dma_wait3A_82] : memref<200x128xi32, #tpu.memory_space<vmem>> -> memref<1x128xi32, #tpu.memory_space<vmem>>
    %dma_wait3A_84 = tpu.memref_squeeze %dma_wait3A_83 : memref<1x128xi32, #tpu.memory_space<vmem>> -> memref<128xi32, #tpu.memory_space<vmem>>
    %dma_wait3A_85 = arith.constant 0 : i32
    %dma_wait3A_86 = arith.constant 0 : i32
    %dma_wait3A_87 = tpu.memref_slice %arg7[%dma_wait3A_85, %dma_wait3A_86] : memref<100000x128xf32, #tpu.memory_space<hbm>> -> memref<100000x128xf32, #tpu.memory_space<hbm>>
    tpu.wait_indirect_dma semaphore(%arg19 : memref<!tpu.dma_semaphore, #tpu.memory_space<semaphore_mem>>) src(%dma_wait3A_87 : memref<100000x128xf32, #tpu.memory_space<hbm>>) dst(%arg13 : memref<128x128xf32, #tpu.memory_space<vmem>>)
    %dma_start3A_88 = arith.constant 199 : i32
    %dma_start3A_89 = arith.constant 0 : i32
    %dma_start3A_90 = tpu.memref_slice %arg10[%dma_start3A_88, %dma_start3A_89] : memref<200x128xi32, #tpu.memory_space<vmem>> -> memref<1x128xi32, #tpu.memory_space<vmem>>
    %dma_start3A_91 = tpu.memref_squeeze %dma_start3A_90 : memref<1x128xi32, #tpu.memory_space<vmem>> -> memref<128xi32, #tpu.memory_space<vmem>>
    %dma_start3A_92 = arith.constant 0 : i32
    %dma_start3A_93 = arith.constant 0 : i32
    %dma_start3A_94 = tpu.memref_slice %arg7[%dma_start3A_92, %dma_start3A_93] : memref<100000x128xf32, #tpu.memory_space<hbm>> -> memref<100000x128xf32, #tpu.memory_space<hbm>>
    tpu.enqueue_indirect_dma source(%dma_start3A_94 : memref<100000x128xf32, #tpu.memory_space<hbm>>) target(%arg13 : memref<128x128xf32, #tpu.memory_space<vmem>>) offsets(%dma_start3A_91 : memref<128xi32, #tpu.memory_space<vmem>>) semaphore(%arg19 : memref<!tpu.dma_semaphore, #tpu.memory_space<semaphore_mem>>) {add = true}
    %dma_wait3A_95 = arith.constant 0 : i32
    %dma_wait3A_96 = arith.constant 0 : i32
    %dma_wait3A_97 = tpu.memref_slice %arg10[%dma_wait3A_95, %dma_wait3A_96] : memref<200x128xi32, #tpu.memory_space<vmem>> -> memref<1x128xi32, #tpu.memory_space<vmem>>
    %dma_wait3A_98 = tpu.memref_squeeze %dma_wait3A_97 : memref<1x128xi32, #tpu.memory_space<vmem>> -> memref<128xi32, #tpu.memory_space<vmem>>
    %dma_wait3A_99 = arith.constant 0 : i32
    %dma_wait3A_100 = arith.constant 0 : i32
    %dma_wait3A_101 = tpu.memref_slice %arg7[%dma_wait3A_99, %dma_wait3A_100] : memref<100000x128xf32, #tpu.memory_space<hbm>> -> memref<100000x128xf32, #tpu.memory_space<hbm>>
    tpu.wait_indirect_dma semaphore(%arg18 : memref<!tpu.dma_semaphore, #tpu.memory_space<semaphore_mem>>) src(%dma_wait3A_101 : memref<100000x128xf32, #tpu.memory_space<hbm>>) dst(%arg12 : memref<128x128xf32, #tpu.memory_space<vmem>>)
    %dma_start3A_102 = arith.constant 384 : i32
    %dma_start3A_103 = tpu.memref_slice %arg9[%mul3A_2, %dma_start3A_102] : memref<4096x1152xf32, #tpu.memory_space<hbm>> -> memref<128x128xf32, #tpu.memory_space<hbm>>
    %dma_start3A_104 = arith.constant 384 : i32
    %dma_start3A_105 = tpu.memref_slice %arg9[%mul3A_2, %dma_start3A_104] : memref<4096x1152xf32, #tpu.memory_space<hbm>> -> memref<128x128xf32, #tpu.memory_space<hbm>>
    tpu.enqueue_dma source(%arg12 : memref<128x128xf32, #tpu.memory_space<vmem>>) target(%dma_start3A_105 : memref<128x128xf32, #tpu.memory_space<hbm>>) target_semaphore(%arg25 : memref<!tpu.dma_semaphore, #tpu.memory_space<semaphore_mem>>)
    %dma_wait3A_106 = arith.constant 1 : i32
    %dma_wait3A_107 = arith.constant 0 : i32
    %dma_wait3A_108 = tpu.memref_slice %arg10[%dma_wait3A_106, %dma_wait3A_107] : memref<200x128xi32, #tpu.memory_space<vmem>> -> memref<1x128xi32, #tpu.memory_space<vmem>>
    %dma_wait3A_109 = tpu.memref_squeeze %dma_wait3A_108 : memref<1x128xi32, #tpu.memory_space<vmem>> -> memref<128xi32, #tpu.memory_space<vmem>>
    %dma_wait3A_110 = arith.constant 0 : i32
    %dma_wait3A_111 = arith.constant 0 : i32
    %dma_wait3A_112 = tpu.memref_slice %arg7[%dma_wait3A_110, %dma_wait3A_111] : memref<100000x128xf32, #tpu.memory_space<hbm>> -> memref<100000x128xf32, #tpu.memory_space<hbm>>
    tpu.wait_indirect_dma semaphore(%arg19 : memref<!tpu.dma_semaphore, #tpu.memory_space<semaphore_mem>>) src(%dma_wait3A_112 : memref<100000x128xf32, #tpu.memory_space<hbm>>) dst(%arg13 : memref<128x128xf32, #tpu.memory_space<vmem>>)
    %dma_start3A_113 = arith.constant 512 : i32
    %dma_start3A_114 = tpu.memref_slice %arg9[%mul3A_2, %dma_start3A_113] : memref<4096x1152xf32, #tpu.memory_space<hbm>> -> memref<128x128xf32, #tpu.memory_space<hbm>>
    %dma_start3A_115 = arith.constant 512 : i32
    %dma_start3A_116 = tpu.memref_slice %arg9[%mul3A_2, %dma_start3A_115] : memref<4096x1152xf32, #tpu.memory_space<hbm>> -> memref<128x128xf32, #tpu.memory_space<hbm>>
    tpu.enqueue_dma source(%arg13 : memref<128x128xf32, #tpu.memory_space<vmem>>) target(%dma_start3A_116 : memref<128x128xf32, #tpu.memory_space<hbm>>) target_semaphore(%arg25 : memref<!tpu.dma_semaphore, #tpu.memory_space<semaphore_mem>>)
    %dma_wait3A_117 = arith.constant 2 : i32
    %dma_wait3A_118 = arith.constant 0 : i32
    %dma_wait3A_119 = tpu.memref_slice %arg10[%dma_wait3A_117, %dma_wait3A_118] : memref<200x128xi32, #tpu.memory_space<vmem>> -> memref<1x128xi32, #tpu.memory_space<vmem>>
    %dma_wait3A_120 = tpu.memref_squeeze %dma_wait3A_119 : memref<1x128xi32, #tpu.memory_space<vmem>> -> memref<128xi32, #tpu.memory_space<vmem>>
    %dma_wait3A_121 = arith.constant 0 : i32
    %dma_wait3A_122 = arith.constant 0 : i32
    %dma_wait3A_123 = tpu.memref_slice %arg7[%dma_wait3A_121, %dma_wait3A_122] : memref<100000x128xf32, #tpu.memory_space<hbm>> -> memref<100000x128xf32, #tpu.memory_space<hbm>>
    tpu.wait_indirect_dma semaphore(%arg20 : memref<!tpu.dma_semaphore, #tpu.memory_space<semaphore_mem>>) src(%dma_wait3A_123 : memref<100000x128xf32, #tpu.memory_space<hbm>>) dst(%arg14 : memref<128x128xf32, #tpu.memory_space<vmem>>)
    %dma_start3A_124 = arith.constant 640 : i32
    %dma_start3A_125 = tpu.memref_slice %arg9[%mul3A_2, %dma_start3A_124] : memref<4096x1152xf32, #tpu.memory_space<hbm>> -> memref<128x128xf32, #tpu.memory_space<hbm>>
    %dma_start3A_126 = arith.constant 640 : i32
    %dma_start3A_127 = tpu.memref_slice %arg9[%mul3A_2, %dma_start3A_126] : memref<4096x1152xf32, #tpu.memory_space<hbm>> -> memref<128x128xf32, #tpu.memory_space<hbm>>
    tpu.enqueue_dma source(%arg14 : memref<128x128xf32, #tpu.memory_space<vmem>>) target(%dma_start3A_127 : memref<128x128xf32, #tpu.memory_space<hbm>>) target_semaphore(%arg25 : memref<!tpu.dma_semaphore, #tpu.memory_space<semaphore_mem>>)
    %dma_wait3A_128 = arith.constant 3 : i32
    %dma_wait3A_129 = arith.constant 0 : i32
    %dma_wait3A_130 = tpu.memref_slice %arg10[%dma_wait3A_128, %dma_wait3A_129] : memref<200x128xi32, #tpu.memory_space<vmem>> -> memref<1x128xi32, #tpu.memory_space<vmem>>
    %dma_wait3A_131 = tpu.memref_squeeze %dma_wait3A_130 : memref<1x128xi32, #tpu.memory_space<vmem>> -> memref<128xi32, #tpu.memory_space<vmem>>
    %dma_wait3A_132 = arith.constant 0 : i32
    %dma_wait3A_133 = arith.constant 0 : i32
    %dma_wait3A_134 = tpu.memref_slice %arg7[%dma_wait3A_132, %dma_wait3A_133] : memref<100000x128xf32, #tpu.memory_space<hbm>> -> memref<100000x128xf32, #tpu.memory_space<hbm>>
    tpu.wait_indirect_dma semaphore(%arg21 : memref<!tpu.dma_semaphore, #tpu.memory_space<semaphore_mem>>) src(%dma_wait3A_134 : memref<100000x128xf32, #tpu.memory_space<hbm>>) dst(%arg15 : memref<128x128xf32, #tpu.memory_space<vmem>>)
    %dma_start3A_135 = arith.constant 768 : i32
    %dma_start3A_136 = tpu.memref_slice %arg9[%mul3A_2, %dma_start3A_135] : memref<4096x1152xf32, #tpu.memory_space<hbm>> -> memref<128x128xf32, #tpu.memory_space<hbm>>
    %dma_start3A_137 = arith.constant 768 : i32
    %dma_start3A_138 = tpu.memref_slice %arg9[%mul3A_2, %dma_start3A_137] : memref<4096x1152xf32, #tpu.memory_space<hbm>> -> memref<128x128xf32, #tpu.memory_space<hbm>>
    tpu.enqueue_dma source(%arg15 : memref<128x128xf32, #tpu.memory_space<vmem>>) target(%dma_start3A_138 : memref<128x128xf32, #tpu.memory_space<hbm>>) target_semaphore(%arg25 : memref<!tpu.dma_semaphore, #tpu.memory_space<semaphore_mem>>)
    %dma_wait3A_139 = arith.constant 4 : i32
    %dma_wait3A_140 = arith.constant 0 : i32
    %dma_wait3A_141 = tpu.memref_slice %arg10[%dma_wait3A_139, %dma_wait3A_140] : memref<200x128xi32, #tpu.memory_space<vmem>> -> memref<1x128xi32, #tpu.memory_space<vmem>>
    %dma_wait3A_142 = tpu.memref_squeeze %dma_wait3A_141 : memref<1x128xi32, #tpu.memory_space<vmem>> -> memref<128xi32, #tpu.memory_space<vmem>>
    %dma_wait3A_143 = arith.constant 0 : i32
    %dma_wait3A_144 = arith.constant 0 : i32
    %dma_wait3A_145 = tpu.memref_slice %arg7[%dma_wait3A_143, %dma_wait3A_144] : memref<100000x128xf32, #tpu.memory_space<hbm>> -> memref<100000x128xf32, #tpu.memory_space<hbm>>
    tpu.wait_indirect_dma semaphore(%arg22 : memref<!tpu.dma_semaphore, #tpu.memory_space<semaphore_mem>>) src(%dma_wait3A_145 : memref<100000x128xf32, #tpu.memory_space<hbm>>) dst(%arg16 : memref<128x128xf32, #tpu.memory_space<vmem>>)
    %dma_start3A_146 = arith.constant 896 : i32
    %dma_start3A_147 = tpu.memref_slice %arg9[%mul3A_2, %dma_start3A_146] : memref<4096x1152xf32, #tpu.memory_space<hbm>> -> memref<128x128xf32, #tpu.memory_space<hbm>>
    %dma_start3A_148 = arith.constant 896 : i32
    %dma_start3A_149 = tpu.memref_slice %arg9[%mul3A_2, %dma_start3A_148] : memref<4096x1152xf32, #tpu.memory_space<hbm>> -> memref<128x128xf32, #tpu.memory_space<hbm>>
    tpu.enqueue_dma source(%arg16 : memref<128x128xf32, #tpu.memory_space<vmem>>) target(%dma_start3A_149 : memref<128x128xf32, #tpu.memory_space<hbm>>) target_semaphore(%arg25 : memref<!tpu.dma_semaphore, #tpu.memory_space<semaphore_mem>>)
    %dma_wait3A_150 = arith.constant 5 : i32
    %dma_wait3A_151 = arith.constant 0 : i32
    %dma_wait3A_152 = tpu.memref_slice %arg10[%dma_wait3A_150, %dma_wait3A_151] : memref<200x128xi32, #tpu.memory_space<vmem>> -> memref<1x128xi32, #tpu.memory_space<vmem>>
    %dma_wait3A_153 = tpu.memref_squeeze %dma_wait3A_152 : memref<1x128xi32, #tpu.memory_space<vmem>> -> memref<128xi32, #tpu.memory_space<vmem>>
    %dma_wait3A_154 = arith.constant 0 : i32
    %dma_wait3A_155 = arith.constant 0 : i32
    %dma_wait3A_156 = tpu.memref_slice %arg7[%dma_wait3A_154, %dma_wait3A_155] : memref<100000x128xf32, #tpu.memory_space<hbm>> -> memref<100000x128xf32, #tpu.memory_space<hbm>>
    tpu.wait_indirect_dma semaphore(%arg23 : memref<!tpu.dma_semaphore, #tpu.memory_space<semaphore_mem>>) src(%dma_wait3A_156 : memref<100000x128xf32, #tpu.memory_space<hbm>>) dst(%arg17 : memref<128x128xf32, #tpu.memory_space<vmem>>)
    %dma_start3A_157 = arith.constant 1024 : i32
    %dma_start3A_158 = tpu.memref_slice %arg9[%mul3A_2, %dma_start3A_157] : memref<4096x1152xf32, #tpu.memory_space<hbm>> -> memref<128x128xf32, #tpu.memory_space<hbm>>
    %dma_start3A_159 = arith.constant 1024 : i32
    %dma_start3A_160 = tpu.memref_slice %arg9[%mul3A_2, %dma_start3A_159] : memref<4096x1152xf32, #tpu.memory_space<hbm>> -> memref<128x128xf32, #tpu.memory_space<hbm>>
    tpu.enqueue_dma source(%arg17 : memref<128x128xf32, #tpu.memory_space<vmem>>) target(%dma_start3A_160 : memref<128x128xf32, #tpu.memory_space<hbm>>) target_semaphore(%arg25 : memref<!tpu.dma_semaphore, #tpu.memory_space<semaphore_mem>>)
    %dma_wait3A_161 = arith.constant 384 : i32
    %dma_wait3A_162 = tpu.memref_slice %arg9[%mul3A_2, %dma_wait3A_161] : memref<4096x1152xf32, #tpu.memory_space<hbm>> -> memref<128x128xf32, #tpu.memory_space<hbm>>
    %dma_wait3A_163 = arith.constant 384 : i32
    %dma_wait3A_164 = tpu.memref_slice %arg9[%mul3A_2, %dma_wait3A_163] : memref<4096x1152xf32, #tpu.memory_space<hbm>> -> memref<128x128xf32, #tpu.memory_space<hbm>>
    tpu.wait_dma2 semaphore(%arg25 : memref<!tpu.dma_semaphore, #tpu.memory_space<semaphore_mem>>) src(%arg12 : memref<128x128xf32, #tpu.memory_space<vmem>>) dst(%dma_wait3A_164 : memref<128x128xf32, #tpu.memory_space<hbm>>)
    %dma_wait3A_165 = arith.constant 512 : i32
    %dma_wait3A_166 = tpu.memref_slice %arg9[%mul3A_2, %dma_wait3A_165] : memref<4096x1152xf32, #tpu.memory_space<hbm>> -> memref<128x128xf32, #tpu.memory_space<hbm>>
    %dma_wait3A_167 = arith.constant 512 : i32
    %dma_wait3A_168 = tpu.memref_slice %arg9[%mul3A_2, %dma_wait3A_167] : memref<4096x1152xf32, #tpu.memory_space<hbm>> -> memref<128x128xf32, #tpu.memory_space<hbm>>
    tpu.wait_dma2 semaphore(%arg25 : memref<!tpu.dma_semaphore, #tpu.memory_space<semaphore_mem>>) src(%arg13 : memref<128x128xf32, #tpu.memory_space<vmem>>) dst(%dma_wait3A_168 : memref<128x128xf32, #tpu.memory_space<hbm>>)
    %dma_wait3A_169 = arith.constant 640 : i32
    %dma_wait3A_170 = tpu.memref_slice %arg9[%mul3A_2, %dma_wait3A_169] : memref<4096x1152xf32, #tpu.memory_space<hbm>> -> memref<128x128xf32, #tpu.memory_space<hbm>>
    %dma_wait3A_171 = arith.constant 640 : i32
    %dma_wait3A_172 = tpu.memref_slice %arg9[%mul3A_2, %dma_wait3A_171] : memref<4096x1152xf32, #tpu.memory_space<hbm>> -> memref<128x128xf32, #tpu.memory_space<hbm>>
    tpu.wait_dma2 semaphore(%arg25 : memref<!tpu.dma_semaphore, #tpu.memory_space<semaphore_mem>>) src(%arg14 : memref<128x128xf32, #tpu.memory_space<vmem>>) dst(%dma_wait3A_172 : memref<128x128xf32, #tpu.memory_space<hbm>>)
    %dma_wait3A_173 = arith.constant 768 : i32
    %dma_wait3A_174 = tpu.memref_slice %arg9[%mul3A_2, %dma_wait3A_173] : memref<4096x1152xf32, #tpu.memory_space<hbm>> -> memref<128x128xf32, #tpu.memory_space<hbm>>
    %dma_wait3A_175 = arith.constant 768 : i32
    %dma_wait3A_176 = tpu.memref_slice %arg9[%mul3A_2, %dma_wait3A_175] : memref<4096x1152xf32, #tpu.memory_space<hbm>> -> memref<128x128xf32, #tpu.memory_space<hbm>>
    tpu.wait_dma2 semaphore(%arg25 : memref<!tpu.dma_semaphore, #tpu.memory_space<semaphore_mem>>) src(%arg15 : memref<128x128xf32, #tpu.memory_space<vmem>>) dst(%dma_wait3A_176 : memref<128x128xf32, #tpu.memory_space<hbm>>)
    %dma_wait3A_177 = arith.constant 896 : i32
    %dma_wait3A_178 = tpu.memref_slice %arg9[%mul3A_2, %dma_wait3A_177] : memref<4096x1152xf32, #tpu.memory_space<hbm>> -> memref<128x128xf32, #tpu.memory_space<hbm>>
    %dma_wait3A_179 = arith.constant 896 : i32
    %dma_wait3A_180 = tpu.memref_slice %arg9[%mul3A_2, %dma_wait3A_179] : memref<4096x1152xf32, #tpu.memory_space<hbm>> -> memref<128x128xf32, #tpu.memory_space<hbm>>
    tpu.wait_dma2 semaphore(%arg25 : memref<!tpu.dma_semaphore, #tpu.memory_space<semaphore_mem>>) src(%arg16 : memref<128x128xf32, #tpu.memory_space<vmem>>) dst(%dma_wait3A_180 : memref<128x128xf32, #tpu.memory_space<hbm>>)
    %dma_wait3A_181 = arith.constant 1024 : i32
    %dma_wait3A_182 = tpu.memref_slice %arg9[%mul3A_2, %dma_wait3A_181] : memref<4096x1152xf32, #tpu.memory_space<hbm>> -> memref<128x128xf32, #tpu.memory_space<hbm>>
    %dma_wait3A_183 = arith.constant 1024 : i32
    %dma_wait3A_184 = tpu.memref_slice %arg9[%mul3A_2, %dma_wait3A_183] : memref<4096x1152xf32, #tpu.memory_space<hbm>> -> memref<128x128xf32, #tpu.memory_space<hbm>>
    tpu.wait_dma2 semaphore(%arg25 : memref<!tpu.dma_semaphore, #tpu.memory_space<semaphore_mem>>) src(%arg17 : memref<128x128xf32, #tpu.memory_space<vmem>>) dst(%dma_wait3A_184 : memref<128x128xf32, #tpu.memory_space<hbm>>)
    return
  }
}

module attributes {stable_mosaic.version = 14 : i64} {
  func.func @_mlp_body(%arg0: memref<4096x1152xf32, #tpu.memory_space<vmem>>, %arg1: memref<512x80xf32, #tpu.memory_space<vmem>>, %arg2: memref<1x80xf32, #tpu.memory_space<vmem>>, %arg3: memref<1x80xf32, #tpu.memory_space<vmem>>, %arg4: memref<80x40xf32, #tpu.memory_space<vmem>>, %arg5: memref<1x40xf32, #tpu.memory_space<vmem>>, %arg6: memref<1x40xf32, #tpu.memory_space<vmem>>, %arg7: memref<40x2xf32, #tpu.memory_space<vmem>>, %arg8: memref<1x2xf32, #tpu.memory_space<vmem>>, %arg9: memref<4096x2xf32, #tpu.memory_space<vmem>>) attributes {dimension_semantics = [], scalar_prefetch = 0 : i64, scratch_operands = 0 : i64, tpu.core_type = #tpu.core_type<tc>} {
    %get3A = arith.constant 0 : index
    %get3A_0 = arith.constant 0 : index
    %get3A_1 = vector.load %arg0[%get3A, %get3A_0] : memref<4096x1152xf32, #tpu.memory_space<vmem>>, vector<4096x1152xf32>
    %slice3A = vector.extract_strided_slice %get3A_1 {offsets = [0, 384], sizes = [4096, 128], strides = [1, 1]} : vector<4096x1152xf32> to vector<4096x128xf32>
    %slice3A_2 = vector.extract_strided_slice %get3A_1 {offsets = [0, 512], sizes = [4096, 128], strides = [1, 1]} : vector<4096x1152xf32> to vector<4096x128xf32>
    %add3A = arith.addf %slice3A, %slice3A_2 : vector<4096x128xf32>
    %slice3A_3 = vector.extract_strided_slice %get3A_1 {offsets = [0, 640], sizes = [4096, 128], strides = [1, 1]} : vector<4096x1152xf32> to vector<4096x128xf32>
    %add3A_4 = arith.addf %add3A, %slice3A_3 : vector<4096x128xf32>
    %slice3A_5 = vector.extract_strided_slice %get3A_1 {offsets = [0, 768], sizes = [4096, 128], strides = [1, 1]} : vector<4096x1152xf32> to vector<4096x128xf32>
    %add3A_6 = arith.addf %add3A_4, %slice3A_5 : vector<4096x128xf32>
    %slice3A_7 = vector.extract_strided_slice %get3A_1 {offsets = [0, 896], sizes = [4096, 128], strides = [1, 1]} : vector<4096x1152xf32> to vector<4096x128xf32>
    %add3A_8 = arith.addf %add3A_6, %slice3A_7 : vector<4096x128xf32>
    %slice3A_9 = vector.extract_strided_slice %get3A_1 {offsets = [0, 1024], sizes = [4096, 128], strides = [1, 1]} : vector<4096x1152xf32> to vector<4096x128xf32>
    %add3A_10 = arith.addf %add3A_8, %slice3A_9 : vector<4096x128xf32>
    %slice3A_11 = vector.extract_strided_slice %get3A_1 {offsets = [0, 0], sizes = [4096, 384], strides = [1, 1]} : vector<4096x1152xf32> to vector<4096x384xf32>
    %concatenate3A = tpu.concatenate %slice3A_11, %add3A_10 in 1 : vector<4096x384xf32>, vector<4096x128xf32> -> vector<4096x512xf32>
    %get3A_12 = arith.constant 0 : index
    %get3A_13 = arith.constant 0 : index
    %get3A_14 = vector.load %arg1[%get3A_12, %get3A_13] : memref<512x80xf32, #tpu.memory_space<vmem>>, vector<512x80xf32>
    %dot_general3A = arith.constant dense<0.000000e+00> : vector<4096x80xf32>
    %dot_general3A_15 = tpu.matmul %concatenate3A, %get3A_14, %dot_general3A {dimension_numbers = #tpu.dot_dimension_numbers<[1], [0], [0], [1], [0, 0, 1, 1], [], []>, transpose_lhs_hint = false} : vector<4096x512xf32>, vector<512x80xf32>, vector<4096x80xf32> -> vector<4096x80xf32>
    %get3A_16 = arith.constant 0 : index
    %get3A_17 = arith.constant 0 : index
    %get3A_18 = vector.load %arg2[%get3A_16, %get3A_17] : memref<1x80xf32, #tpu.memory_space<vmem>>, vector<1x80xf32>
    %add3A_19 = vector.broadcast %get3A_18 : vector<1x80xf32> to vector<4096x80xf32>
    %add3A_20 = arith.addf %dot_general3A_15, %add3A_19 : vector<4096x80xf32>
    %get3A_21 = arith.constant 0 : index
    %get3A_22 = arith.constant 0 : index
    %get3A_23 = vector.load %arg3[%get3A_21, %get3A_22] : memref<1x80xf32, #tpu.memory_space<vmem>>, vector<1x80xf32>
    %reduce_sum3A = arith.constant dense<0.000000e+00> : vector<80xf32>
    %reduce_sum3A_24 = vector.multi_reduction <add>, %add3A_20, %reduce_sum3A [0] : vector<4096x80xf32> to vector<80xf32>
    %broadcast_in_dim3A = vector.shape_cast %reduce_sum3A_24 : vector<80xf32> to vector<1x80xf32>
    %div3A = arith.constant 4.096000e+03 : f32
    %div3A_25 = vector.broadcast %div3A : f32 to vector<1x80xf32>
    %div3A_26 = arith.divf %broadcast_in_dim3A, %div3A_25 : vector<1x80xf32>
    %sub3A = vector.broadcast %div3A_26 : vector<1x80xf32> to vector<4096x80xf32>
    %sub3A_27 = arith.subf %add3A_20, %sub3A : vector<4096x80xf32>
    %integer_pow3A = arith.mulf %sub3A_27, %sub3A_27 : vector<4096x80xf32>
    %reduce_sum3A_28 = arith.constant dense<0.000000e+00> : vector<80xf32>
    %reduce_sum3A_29 = vector.multi_reduction <add>, %integer_pow3A, %reduce_sum3A_28 [0] : vector<4096x80xf32> to vector<80xf32>
    %broadcast_in_dim3A_30 = vector.shape_cast %reduce_sum3A_29 : vector<80xf32> to vector<1x80xf32>
    %div3A_31 = arith.constant 4.096000e+03 : f32
    %div3A_32 = vector.broadcast %div3A_31 : f32 to vector<1x80xf32>
    %div3A_33 = arith.divf %broadcast_in_dim3A_30, %div3A_32 : vector<1x80xf32>
    %sub3A_34 = vector.broadcast %div3A_26 : vector<1x80xf32> to vector<4096x80xf32>
    %sub3A_35 = arith.subf %add3A_20, %sub3A_34 : vector<4096x80xf32>
    %add3A_36 = arith.constant 9.99999993E-9 : f32
    %add3A_37 = vector.broadcast %add3A_36 : f32 to vector<1x80xf32>
    %add3A_38 = arith.addf %div3A_33, %add3A_37 : vector<1x80xf32>
    %rsqrt3A = math.rsqrt %add3A_38 : vector<1x80xf32>
    %mul3A = vector.broadcast %rsqrt3A : vector<1x80xf32> to vector<4096x80xf32>
    %mul3A_39 = arith.mulf %sub3A_35, %mul3A : vector<4096x80xf32>
    %logistic3A = arith.negf %mul3A_39 : vector<4096x80xf32>
    %logistic3A_40 = math.exp %logistic3A : vector<4096x80xf32>
    %logistic3A_41 = arith.constant 1.000000e+00 : f32
    %logistic3A_42 = vector.broadcast %logistic3A_41 : f32 to vector<4096x80xf32>
    %logistic3A_43 = arith.addf %logistic3A_42, %logistic3A_40 : vector<4096x80xf32>
    %logistic3A_44 = arith.divf %logistic3A_42, %logistic3A_43 : vector<4096x80xf32>
    %mul3A_45 = arith.mulf %logistic3A_44, %add3A_20 : vector<4096x80xf32>
    %sub3A_46 = arith.constant 1.000000e+00 : f32
    %sub3A_47 = vector.broadcast %sub3A_46 : f32 to vector<4096x80xf32>
    %sub3A_48 = arith.subf %sub3A_47, %logistic3A_44 : vector<4096x80xf32>
    %mul3A_49 = vector.broadcast %get3A_23 : vector<1x80xf32> to vector<4096x80xf32>
    %mul3A_50 = arith.mulf %sub3A_48, %mul3A_49 : vector<4096x80xf32>
    %mul3A_51 = arith.mulf %mul3A_50, %add3A_20 : vector<4096x80xf32>
    %add3A_52 = arith.addf %mul3A_45, %mul3A_51 : vector<4096x80xf32>
    %get3A_53 = arith.constant 0 : index
    %get3A_54 = arith.constant 0 : index
    %get3A_55 = vector.load %arg4[%get3A_53, %get3A_54] : memref<80x40xf32, #tpu.memory_space<vmem>>, vector<80x40xf32>
    %dot_general3A_56 = arith.constant dense<0.000000e+00> : vector<4096x40xf32>
    %dot_general3A_57 = tpu.matmul %add3A_52, %get3A_55, %dot_general3A_56 {dimension_numbers = #tpu.dot_dimension_numbers<[1], [0], [0], [1], [0, 0, 1, 1], [], []>, transpose_lhs_hint = false} : vector<4096x80xf32>, vector<80x40xf32>, vector<4096x40xf32> -> vector<4096x40xf32>
    %get3A_58 = arith.constant 0 : index
    %get3A_59 = arith.constant 0 : index
    %get3A_60 = vector.load %arg5[%get3A_58, %get3A_59] : memref<1x40xf32, #tpu.memory_space<vmem>>, vector<1x40xf32>
    %add3A_61 = vector.broadcast %get3A_60 : vector<1x40xf32> to vector<4096x40xf32>
    %add3A_62 = arith.addf %dot_general3A_57, %add3A_61 : vector<4096x40xf32>
    %get3A_63 = arith.constant 0 : index
    %get3A_64 = arith.constant 0 : index
    %get3A_65 = vector.load %arg6[%get3A_63, %get3A_64] : memref<1x40xf32, #tpu.memory_space<vmem>>, vector<1x40xf32>
    %reduce_sum3A_66 = arith.constant dense<0.000000e+00> : vector<40xf32>
    %reduce_sum3A_67 = vector.multi_reduction <add>, %add3A_62, %reduce_sum3A_66 [0] : vector<4096x40xf32> to vector<40xf32>
    %broadcast_in_dim3A_68 = vector.shape_cast %reduce_sum3A_67 : vector<40xf32> to vector<1x40xf32>
    %div3A_69 = arith.constant 4.096000e+03 : f32
    %div3A_70 = vector.broadcast %div3A_69 : f32 to vector<1x40xf32>
    %div3A_71 = arith.divf %broadcast_in_dim3A_68, %div3A_70 : vector<1x40xf32>
    %sub3A_72 = vector.broadcast %div3A_71 : vector<1x40xf32> to vector<4096x40xf32>
    %sub3A_73 = arith.subf %add3A_62, %sub3A_72 : vector<4096x40xf32>
    %integer_pow3A_74 = arith.mulf %sub3A_73, %sub3A_73 : vector<4096x40xf32>
    %reduce_sum3A_75 = arith.constant dense<0.000000e+00> : vector<40xf32>
    %reduce_sum3A_76 = vector.multi_reduction <add>, %integer_pow3A_74, %reduce_sum3A_75 [0] : vector<4096x40xf32> to vector<40xf32>
    %broadcast_in_dim3A_77 = vector.shape_cast %reduce_sum3A_76 : vector<40xf32> to vector<1x40xf32>
    %div3A_78 = arith.constant 4.096000e+03 : f32
    %div3A_79 = vector.broadcast %div3A_78 : f32 to vector<1x40xf32>
    %div3A_80 = arith.divf %broadcast_in_dim3A_77, %div3A_79 : vector<1x40xf32>
    %sub3A_81 = vector.broadcast %div3A_71 : vector<1x40xf32> to vector<4096x40xf32>
    %sub3A_82 = arith.subf %add3A_62, %sub3A_81 : vector<4096x40xf32>
    %add3A_83 = arith.constant 9.99999993E-9 : f32
    %add3A_84 = vector.broadcast %add3A_83 : f32 to vector<1x40xf32>
    %add3A_85 = arith.addf %div3A_80, %add3A_84 : vector<1x40xf32>
    %rsqrt3A_86 = math.rsqrt %add3A_85 : vector<1x40xf32>
    %mul3A_87 = vector.broadcast %rsqrt3A_86 : vector<1x40xf32> to vector<4096x40xf32>
    %mul3A_88 = arith.mulf %sub3A_82, %mul3A_87 : vector<4096x40xf32>
    %logistic3A_89 = arith.negf %mul3A_88 : vector<4096x40xf32>
    %logistic3A_90 = math.exp %logistic3A_89 : vector<4096x40xf32>
    %logistic3A_91 = arith.constant 1.000000e+00 : f32
    %logistic3A_92 = vector.broadcast %logistic3A_91 : f32 to vector<4096x40xf32>
    %logistic3A_93 = arith.addf %logistic3A_92, %logistic3A_90 : vector<4096x40xf32>
    %logistic3A_94 = arith.divf %logistic3A_92, %logistic3A_93 : vector<4096x40xf32>
    %mul3A_95 = arith.mulf %logistic3A_94, %add3A_62 : vector<4096x40xf32>
    %sub3A_96 = arith.constant 1.000000e+00 : f32
    %sub3A_97 = vector.broadcast %sub3A_96 : f32 to vector<4096x40xf32>
    %sub3A_98 = arith.subf %sub3A_97, %logistic3A_94 : vector<4096x40xf32>
    %mul3A_99 = vector.broadcast %get3A_65 : vector<1x40xf32> to vector<4096x40xf32>
    %mul3A_100 = arith.mulf %sub3A_98, %mul3A_99 : vector<4096x40xf32>
    %mul3A_101 = arith.mulf %mul3A_100, %add3A_62 : vector<4096x40xf32>
    %add3A_102 = arith.addf %mul3A_95, %mul3A_101 : vector<4096x40xf32>
    %get3A_103 = arith.constant 0 : index
    %get3A_104 = arith.constant 0 : index
    %get3A_105 = vector.load %arg7[%get3A_103, %get3A_104] : memref<40x2xf32, #tpu.memory_space<vmem>>, vector<40x2xf32>
    %dot_general3A_106 = arith.constant dense<0.000000e+00> : vector<4096x2xf32>
    %dot_general3A_107 = tpu.matmul %add3A_102, %get3A_105, %dot_general3A_106 {dimension_numbers = #tpu.dot_dimension_numbers<[1], [0], [0], [1], [0, 0, 1, 1], [], []>, transpose_lhs_hint = false} : vector<4096x40xf32>, vector<40x2xf32>, vector<4096x2xf32> -> vector<4096x2xf32>
    %get3A_108 = arith.constant 0 : index
    %get3A_109 = arith.constant 0 : index
    %get3A_110 = vector.load %arg8[%get3A_108, %get3A_109] : memref<1x2xf32, #tpu.memory_space<vmem>>, vector<1x2xf32>
    %add3A_111 = vector.broadcast %get3A_110 : vector<1x2xf32> to vector<4096x2xf32>
    %add3A_112 = arith.addf %dot_general3A_107, %add3A_111 : vector<4096x2xf32>
    %swap3A = arith.constant 0 : index
    %swap3A_113 = arith.constant 0 : index
    %swap3A_114 = vector.load %arg9[%swap3A, %swap3A_113] : memref<4096x2xf32, #tpu.memory_space<vmem>>, vector<4096x2xf32>
    tpu.vector_store %arg9[%swap3A, %swap3A_113], %add3A_112 {strides = array<i32>} : memref<4096x2xf32, #tpu.memory_space<vmem>>, vector<4096x2xf32>,
    return
  }
}

</mosaic_0001>

<sc_bundles>
// kernel: kernel.4.cloned.1.call-start
scs
__scs_entry_jumppad:
0x0: {  	(pc) =	sbr.rel $0x88, $3  }
0x1: {  	(tag) =	ssettag $0x0;
	lr =	simm.s32 $0x1  }
0x2: {  	[smem:$0x3F92] =	sst lr;
	_ =	strace $0xD0000000  }
0x3: {  	_ = 	snop  }
0x4: {  	_ = 	snop  }
0x5: {  	_ = 	snop  }
0x6: {  	_ = 	snop  }
0x7: {  	_ = 	snop  }
__scs_overlays_trampoline_lowered:
0x8: {  	[smem:$0x3FA1] =	sst s0  }
0x9: {  	[smem:$0x3FA2] =	sst s1  }
0xa: {  	[smem:$0x3FA3] =	sst s2  }
0xb: {  	[smem:$0x3FA4] =	sst s3  }
0xc: {  	[smem:$0x3FA5] =	sst s4  }
0xd: {  	[smem:$0x3FA6] =	sst s5  }
0xe: {  	[smem:$0x3FA7] =	sst s6  }
0xf: {  	[smem:$0x3FA8] =	sst s7  }
0x10: {  	[smem:$0x3FA9] =	sst s8  }
0x11: {  	[smem:$0x3FAA] =	sst s9;
	s0 =	simm.s32 @!p0 $0x0  }
0x12: {  	s1 =	sld [smem:$0x3F90];
	s0 =	simm.s32 @p0 $0x1  }
0x13: {  	[smem:$0x3FAB] =	sst s0;
	s0 =	simm.s32 @!p1 $0x0  }
0x14: {  	s2 =	sld [smem:$0x3F8F];
	s0 =	simm.s32 @p1 $0x1  }
0x15: {  	[smem:$0x3FAC] =	sst s0;
	s0 =	simm.s32 @!p2 $0x0  }
0x16: {  	s3 =	sld [smem:$0x3FDB];
	s0 =	simm.s32 @p2 $0x1  }
0x17: {  	s4 =	simm.s32 $0x1BF5;
	[smem:$0x3FAE] =	sst s0  }
0x18: {  	s0 =	sld [smem:$0x3F91];
	_ =	swait.ge [sflag:s4], $0x0  }
0x19: {  	s7 =	sld [smem:$0x3F92]  }
0x1a: {  	s8 =	sadd.s32 $0xFFFFE003, lr  }
0x1b: {  	s9 =	sadd.s32 $0xFFFFFEF7, lr;
	s5 =	simm.s32 $0xFFFFFFFF;
	p2 =	slt.u32 s8, $0xFFFFF086  }
0x1c: {  	p1 =	slt.u32 s9, $0xF7A;
	s5 =	simm.s32 @!p2 $0x0  }
0x1d: {  	s5 =	simm.s32 @p1 $0x1;
	p0 =	seq.s32 s7, s2  }
0x1e: {  	s7 =	smul.u32 @!p0 $0xF7A, s2;
	p2 =	seq.s32 @!p0 s5, $0x0  }
0x1f: {  	s9 =	smul.u32 $0xF7A, s1;
	s8 =	simm.s32 @!p0 $0x1BF5;
	p2 =	por !p2, p0  }
0x20: {  	[sflag:s8] =	ssyncset.s32 @!p0 $0xFFFFF086;
	s6 =	sadd.s32 @!p0 s3, s7;
	s7 =	simm.s32 @!p0 $0x108  }
0x21: {  	s3 =	sadd.s32 s3, s9;
	s6 =	sadd.s32 @!p0 $0x88, s6;
	s7 =	simm.s32 @p2 $0x1082  }
0x22: {  	[simem:s7], [sflag:s8] =	dma.local @!p0 [hbm:s6], $0xF7A  }
0x23: {  	s9 =	sor.u32 $0xD0000000, s2;
	s6 =	simm.s32 $0x108;
	_ =	swait.ge @!p0 [sflag:s8], $0x0  }
0x24: {  	s3 =	sadd.s32 $0x88, s3;
	s6 =	simm.s32 @!p1 $0x1082;
	[sflag:s4] =	ssyncset.s32 $0xFFFFF086  }
0x25: {  	[simem:s6], [sflag:s4] =	dma.local [hbm:s3], $0xF7A  }
0x26: {  	[smem:$0x3F92] =	sst s1;
	(tag) =	ssettag s2;
	_ =	strace s9  }
0x27: {  	s1 =	sld [smem:$0x3FA2]  }
0x28: {  	s2 =	sld [smem:$0x3FA3]  }
0x29: {  	s4 =	sld [smem:$0x3FA5]  }
0x2a: {  	p0 =	seq.s32 s5, $0x0;
	s5 =	sld [smem:$0x3FA6]  }
0x2b: {  	s6 =	sld [smem:$0x3FA7]  }
0x2c: {  	s7 =	sld [smem:$0x3FA8]  }
0x2d: {  	s3 =	simm.s32 $0x108;
	s8 =	sld [smem:$0x3FA9]  }
0x2e: {  	s3 =	simm.s32 @!p0 $0x1082;
	s9 =	sld [smem:$0x3FAA]  }
0x2f: {  	lr =	sadd.s32 s0, s3;
	s0 =	sld [smem:$0x3FA1]  }
0x30: {  	s3 =	sld [smem:$0x3FA4]  }
0x31: {  	[smem:$0x3FAD] =	sst s10  }
0x32: {  	s10 =	sld [smem:$0x3FAB];
	_ =	sdelay $0x3  }
0x33: {  	p0 =	seq.s32 s10, $0x1;
	s10 =	sld [smem:$0x3FAD];
	_ =	sdelay $0x3  }
0x34: {  	[smem:$0x3FAD] =	sst s10  }
0x35: {  	s10 =	sld [smem:$0x3FAC];
	_ =	sdelay $0x3  }
0x36: {  	p1 =	seq.s32 s10, $0x1;
	s10 =	sld [smem:$0x3FAD];
	_ =	sdelay $0x3  }
0x37: {  	[smem:$0x3FAD] =	sst s10  }
0x38: {  	s10 =	sld [smem:$0x3FAE]  }
0x39: {  	_ = 	snop;
	(pc) =	sbr.ind lr, $3  }
0x3a: {  	_ = 	snop  }
0x3b: {  	_ = 	snop  }
0x3c: {  	p2 =	seq.s32 s10, $0x1;
	s10 =	sld [smem:$0x3FAD]  }
0x3d: {  	_ =	shalt  }
0x3e: {  	_ =	shalt  }
0x3f: {  	_ =	shalt  }
0x40: {  	_ =	shalt  }
0x41: {  	_ =	shalt  }
0x42: {  	_ =	shalt  }
0x43: {  	_ =	shalt  }
0x44: {  	_ =	shalt  }
0x45: {  	_ =	shalt  }
0x46: {  	_ =	shalt  }
0x47: {  	_ =	shalt  }
0x48: {  	_ =	shalt  }
0x49: {  	_ =	shalt  }
0x4a: {  	_ =	shalt  }
0x4b: {  	_ =	shalt  }
0x4c: {  	_ =	shalt  }
0x4d: {  	_ =	shalt  }
0x4e: {  	_ =	shalt  }
0x4f: {  	_ =	shalt  }
0x50: {  	_ =	shalt  }
0x51: {  	_ =	shalt  }
0x52: {  	_ =	shalt  }
0x53: {  	_ =	shalt  }
0x54: {  	_ =	shalt  }
0x55: {  	_ =	shalt  }
0x56: {  	_ =	shalt  }
0x57: {  	_ =	shalt  }
0x58: {  	_ =	shalt  }
0x59: {  	_ =	shalt  }
0x5a: {  	_ =	shalt  }
0x5b: {  	_ =	shalt  }
0x5c: {  	_ =	shalt  }
0x5d: {  	_ =	shalt  }
0x5e: {  	_ =	shalt  }
0x5f: {  	_ =	shalt  }
0x60: {  	_ =	shalt  }
0x61: {  	_ =	shalt  }
0x62: {  	_ =	shalt  }
0x63: {  	_ =	shalt  }
0x64: {  	_ =	shalt  }
0x65: {  	_ =	shalt  }
0x66: {  	_ =	shalt  }
0x67: {  	_ =	shalt  }
0x68: {  	_ =	shalt  }
0x69: {  	_ =	shalt  }
0x6a: {  	_ =	shalt  }
0x6b: {  	_ =	shalt  }
0x6c: {  	_ =	shalt  }
0x6d: {  	_ =	shalt  }
0x6e: {  	_ =	shalt  }
0x6f: {  	_ =	shalt  }
0x70: {  	_ =	shalt  }
0x71: {  	_ =	shalt  }
0x72: {  	_ =	shalt  }
0x73: {  	_ =	shalt  }
0x74: {  	_ =	shalt  }
0x75: {  	_ =	shalt  }
0x76: {  	_ =	shalt  }
0x77: {  	_ =	shalt  }
0x78: {  	_ =	shalt  }
0x79: {  	_ =	shalt  }
0x7a: {  	_ =	shalt  }
0x7b: {  	_ =	shalt  }
0x7c: {  	_ =	shalt  }
0x7d: {  	_ =	shalt  }
0x7e: {  	_ =	shalt  }
0x7f: {  	_ =	shalt  }
0x80: {  	_ =	shalt  }
0x81: {  	_ =	shalt  }
0x82: {  	_ =	shalt  }
0x83: {  	_ =	shalt  }
0x84: {  	_ =	shalt  }
0x85: {  	_ =	shalt  }
0x86: {  	_ =	shalt  }
0x87: {  	_ =	shalt  }
.Lfunc_end0:
.L_simem_size_0:
called_computation_lowered:
.L_overlay_start_0:
0x88: {  	s2 =	sld [smem:$0x3FD9]  }
0x89: {  	s3 =	sld [smem:$0x3FFE];
	_ =	sdelay $0x1  }
0x8a: {  	s1 =	srdreg.scid  }
0x8b: {  	s0 =	sand.u32 $0x1, s1  }
0x8c: {  	s17 =	sshll.u32 s0, $0xA;
	s2 =	sadd.s32 s3, s2  }
0x8d: {  	s2 =	sadd.s32 s2, s17  }
0x8e: {  	[smem:$0x3FB9] =	sst s2  }
0x8f: {  	_ = 	snop  }
0x90: {  	s2 =	sld [smem:$0x3FC9]  }
0x91: {  	s18 =	sld [smem:$0x3FC8]  }
0x92: {  	s4 =	sld [smem:$0x3FC7]  }
0x93: {  	s5 =	sld [smem:$0x3FC6]  }
0x94: {  	s6 =	sld [smem:$0x3FC5]  }
0x95: {  	s7 =	sld [smem:$0x3FC4]  }
0x96: {  	s8 =	sld [smem:$0x3FC3];
	(tm) =	ssettm $0x1  }
0x97: {  	s9 =	sld [smem:$0x3FFB];
	_ =	sdelay $0x3  }
0x98: {  	_ =	strace s9  }
0x99: {  	s9 =	sld [smem:$0x3FFC];
	_ =	sdelay $0x3  }
0x9a: {  	_ =	strace s9  }
0x9b: {  	s9 =	sld [smem:$0x3FFD];
	_ =	sdelay $0x3  }
0x9c: {  	_ =	strace s9  }
0x9d: {  	_ =	strace $0x8FFFFFFF  }
0x9e: {  	s19 =	sld [smem:$0x3FDB];
	_ =	sdelay $0x1  }
0x9f: {  	s10 =	simm.s32 $_scs_section_size  }
0xa0: {  	s11 =	simm.s32 $_size__tile_overlayer_lowered;
	s12 =	simm.s32 $_tile_overlayer_lowered  }
0xa1: {  	s22 =	simm.s32 $0x1BFF;
	s21 =	sshll.u32 s12, $0x1;
	s9 =	sadd.s32 s10, s19  }
0xa2: {  	s13 =	simm.s32 $0x0;
	s20 =	sshll.u32 s11, $0x1;
	s11 =	sadd.s32 s21, s9  }
0xa3: {  	[timem:s13], [sflag:s22] =	dma.local [hbm:s11], s20  }
0xa4: {  	_ =	swait.ge [sflag:s22], s20  }
0xa5: {  	s10 =	ssub.s32 $0x0, s20;
	[sflag:s22] =	ssyncset.done $0x0  }
0xa6: {  	[sflag:s22] =	ssyncadd.s32 s10;
	_ =	sdelay $0x1  }
0xa7: {  	s23 =	simm.s32 $0x1B8B  }
0xa8: {  	_ =	swait.ge [sflag:s23], $0x1  }
0xa9: {  	[sflag:s23] =	ssyncset.done $0x0  }
0xaa: {  	s25 =	simm.s32 $0x1B8E;
	s24 =	sld [smem:$0x3FFE];
	[sflag:s23] =	ssyncadd.s32 $0xFFFFFFFF  }
0xab: {  	s26 =	simm.s32 $execute0_lowered;
	[smem:$0x3FD2] =	sst s25  }
0xac: {  	s11 =	sshll.u32 s26, $0x1;
	_ =	strace $0x80000046;
	[dreg:$0x1] =	wrdreg $0xFFFFFFFF  }
0xad: {  	s28 =	simm.s32 $_size_execute0_lowered;
	s9 =	sadd.s32 s9, s11;
	[dreg:$0x0] =	wrdreg $0x0  }
0xae: {  	s11 =	sshll.u32 s28, $0x1;
	[dreg:$0x2] =	wrdreg s9  }
0xaf: {  	[dreg:$0x3] =	wrdreg s11  }
0xb0: {  	[dreg:$0x4] =	wrdreg $0xC0  }
0xb1: {  	_ =	task [dreg:s13], $0x5FFFF  }
0xb2: {  	[dreg:$0x1] =	wrdreg $0xFFFFFFFF  }
0xb3: {  	[dreg:$0x0] =	wrdreg $0x60  }
0xb4: {  	[dreg:$0x2] =	wrdreg s18  }
0xb5: {  	[dreg:$0x3] =	wrdreg s2  }
0xb6: {  	[dreg:$0x4] =	wrdreg s4  }
0xb7: {  	[dreg:$0x5] =	wrdreg s5  }
0xb8: {  	[dreg:$0x6] =	wrdreg s6  }
0xb9: {  	[dreg:$0x7] =	wrdreg s7  }
0xba: {  	[dreg:$0x8] =	wrdreg s8  }
0xbb: {  	[dreg:$0x9] =	wrdreg s24  }
0xbc: {  	[dreg:$0xa] =	wrdreg $0x9  }
0xbd: {  	_ =	task.clear_ibuf [dreg:s13], $0xBFFFF;
	_ =	strace $0x90000046  }
0xbe: {  	s29 =	simm.s32 $0x9;
	_ =	strace $0x80000048  }
0xbf: {  	_ =	swait.ge [sflag:s29], $0x1  }
0xc0: {  	[sflag:s29] =	ssyncadd.s32 $0xFFFFFFFF  }
0xc1: {  	_ =	strace $0x90000048  }
0xc2: {  	_ =	sfence  }
0xc3: {  	s30 =	sld [smem:$0x0];
	_ =	sdelay $0x2  }
0xc4: {  	s31 =	sshll.u32 s1, $0xD;
	s1 =	sshrl.u32 s1, $0x2  }
0xc5: {  	s3 =	sand.u32 $0x4000, s31;
	s1 =	sadd.s32 s1, s30  }
0xc6: {  	s0 =	sor.u32 s3, s0;
	s1 =	sshll.u32 s1, $0x11  }
0xc7: {  	s0 =	sor.u32 s1, s0  }
0xc8: {  	s0 =	sadd.s32 $0x8F2B, s0  }
0xc9: {  	[sflag:s0] =	ssyncadd.remote.s32 $0x1  }
0xca: {  	_ =	sfence.sel $0xFFFF  }
0xcb: {  	[dreg:$0x0] =	wrdreg $0xFFFFFFFF;
	(pc) =	sbr.abs _section_cstart, $3  }
0xcc: {  	[dreg:$0x1] =	wrdreg $0xFFFFFFFF  }
0xcd: {  	_ =	task.clear_ibuf [dreg:s13], $0x2FFFF;
	_ =	strace $0x9FFFFFFF  }
0xce: {  	(tm) =	ssettm $0x7FFFFFFF  }
0xcf: {  	_ =	shalt  }
tec
execute0_lowered:
.L_overlay_start_1:
0x0: {  	(tag) =	ssettag $0x1  }
0x1: {  	s0 =	rddreg [dreg:$0x0]  }
0x2: {  	s1 =	rddreg [dreg:$0x1]  }
0x3: {  	s3 =	rddreg [dreg:$0x2]  }
0x4: {  	s4 =	rddreg [dreg:$0x3]  }
0x5: {  	s5 =	srdreg.scid;
	s2 =	rddreg [dreg:$0x5]  }
0x6: {  	s7 =	stileid.u32;
	s8 =	rddreg [dreg:$0x7]  }
0x7: {  	s28 =	simm.s32 $0xE480;
	s30 =	simm.s32 $0x12480;
	s29 =	simm.s32 $0x7  }
0x8: {  	s31 =	simm.s32 $0x1;
	s11 =	simm.s32 $0x8;
	s6 =	sand.u32 $0x1, s5  }
0x9: {  	s12 =	simm.s32 $0x0;
	s7 =	sshll.u32 s7, $0x7;
	s5 =	sshll.u32 s6, $0xB  }
0xa: {  	s6 =	ssub.s32 $0x2, s6;
	s7 =	sor.u32 s7, s5;
	s5 =	simm.s32 $0x0  }
0xb: {  	s13 =	sshrl.u32 s6, $0x1;
	s9 =	sshrl.u32 s7, $0x3;
	[smem:$0x7FF] =	sst s5  }
0xc: {  	s7 =	sadd.s32 s0, s7;
	s14 =	ssub.s32 s6, s13;
	s0 =	simm.s32 $0x2  }
0xd: {  	_ =	strace $0x80000047;
	[dreg:$0x9] =	wrdreg s7;
	s20 =	sadd.s32 $0x1000, s7  }
0xe: {  	s10 =	smul.u32 $0x480, s9;
	s1 =	sadd.s32 s1, s9;
	[dreg:$0xa] =	wrdreg s20  }
0xf: {  	s22 =	sadd.s32 s3, s9;
	s24 =	sadd.s32 s4, s9;
	[dreg:$0xb] =	wrdreg s1  }
0x10: {  	s3 =	simm.s32 $0x16480;
	s4 =	simm.s32 $0x6400;
	[dreg:$0xd] =	wrdreg s22  }
0x11: {  	s7 =	simm.s32 $0x3;
	s9 =	simm.s32 $0x5;
	[dreg:$0xf] =	wrdreg s24  }
0x12: {  	s20 =	smax.u32 s14, $0x1;
	s24 =	simm.s32 $0x80;
	s1 =	simm.s32 $0x1A480  }
0x13: {  	s22 =	simm.s32 $0x6480;
	s8 =	sadd.s32 s10, s8;
	s10 =	simm.s32 $0x6  }
0x14: {  	s21 =	sadd.s32 $0x1600, s8;
	s23 =	sadd.s32 $0x1680, s8;
	s25 =	sadd.s32 $0x1700, s8  }
0x15: {  	s26 =	sadd.s32 $0x1780, s8;
	s15 =	sadd.s32 $0x1800, s8;
	[dreg:$0xc] =	wrdreg s21  }
0x16: {  	s16 =	sadd.s32 $0x1880, s8;
	s17 =	sadd.s32 $0x1900, s8;
	[dreg:$0xe] =	wrdreg s23  }
0x17: {  	s18 =	sadd.s32 $0x1980, s8;
	s19 =	sadd.s32 $0x1A00, s8;
	[dreg:$0x10] =	wrdreg s25  }
0x18: {  	s8 =	simm.s32 $0x4;
	[dreg:$0x11] =	wrdreg s26;
	s21 =	simm.s32 $0x9  }
0x19: {  	s23 =	simm.s32 $0x400;
	s25 =	simm.s32 $0xA480;
	s26 =	simm.s32 $0x2400  }
.LBB2_1:
0x1a: {  	s6 =	rddreg [dreg:$0x9]  }
0x1b: {  	[tilespmem:s5], [sflag:$0x9] =	stream.linear.gather [hbm4b:s6+s5], $0x400, $0x38;
	[tilespmem:$0x1E480] =	vst v63  }
0x1c: {  	_ =	swait.ge [sflag:s21], $0x400  }
0x1d: {  	[sflag:s21] =	ssyncset.done $0x0  }
0x1e: {  	s13 =	simm.s32 $0x8000;
	s14 =	rddreg [dreg:$0xa];
	[sflag:s21] =	ssyncadd.s32 $0xFFFFFC00  }
0x1f: {  	[tilespmem:s23], [sflag:$0x7] =	stream.strided.gather [hbm4b:s14+s23], $0x6000, s13, s23, $0x38;
	[tilespmem:$0x1E480] =	vst v63  }
0x20: {  	_ = 	snop  }
0x21: {  	[tilespmem:s25], [sflag:$0x2] =	stream.indirect.gather [hbm4b:s2+s24], $0x80, s24, s24, $0xb8;
	[tilespmem:$0x1E480] =	vst v63  }
0x22: {  	s14 =	simm.s32 $0x100  }
0x23: {  	[tilespmem:s28], [sflag:$0x3] =	stream.indirect.gather [hbm4b:s2+s24], $0x80, s14, s24, $0xb8;
	[tilespmem:$0x1E480] =	vst v63  }
0x24: {  	s13 =	simm.s32 $0x180  }
0x25: {  	[tilespmem:s30], [sflag:$0x4] =	stream.indirect.gather [hbm4b:s2+s24], $0x80, s13, s24, $0xb8;
	[tilespmem:$0x1E480] =	vst v63  }
0x26: {  	s14 =	simm.s32 $0x200  }
0x27: {  	[tilespmem:s3], [sflag:$0x5] =	stream.indirect.gather [hbm4b:s2+s24], $0x80, s14, s24, $0xb8;
	[tilespmem:$0x1E480] =	vst v63  }
0x28: {  	s13 =	simm.s32 $0x280  }
0x29: {  	[tilespmem:s1], [sflag:$0x6] =	stream.indirect.gather [hbm4b:s2+s24], $0x80, s13, s24, $0xb8;
	[tilespmem:$0x1E480] =	vst v63  }
0x2a: {  	s14 =	rddreg [dreg:$0xb]  }
0x2b: {  	[tilespmem:s4], [sflag:$0x9] =	stream.linear.gather [hbm4b:s14+s5], $0x80, $0x38;
	[tilespmem:$0x1E480] =	vst v63  }
0x2c: {  	_ =	swait.ge [sflag:s21], $0x80  }
0x2d: {  	[sflag:s21] =	ssyncset.done $0x0  }
0x2e: {  	[sflag:s21] =	ssyncadd.s32 $0xFFFFFF80  }
0x2f: {  	s13 =	rddreg [dreg:$0x4]  }
0x30: {  	[tilespmem:s22], [sflag:$0x9] =	stream.indirect.gather [hbm4b:s13+s24], $0x80, s4, s24, $0xb8;
	[tilespmem:$0x1E480] =	vst v63  }
0x31: {  	_ =	swait.ge [sflag:s21], $0x4000  }
0x32: {  	[sflag:s21] =	ssyncset.done $0x0  }
0x33: {  	s14 =	rddreg [dreg:$0xc];
	[sflag:s21] =	ssyncadd.s32 $0xFFFFC000  }
0x34: {  	[hbm4b:s14+s23] =	stream.strided.scatter [tilespmem:s22], [sflag:$0x9], $0x4000, s26, s23, $0x38;
	[tilespmem:$0x1E480] =	vst v63  }
0x35: {  	_ =	swait.ge [sflag:s21], $0x4000  }
0x36: {  	[sflag:s21] =	ssyncset.done $0x0  }
0x37: {  	s13 =	rddreg [dreg:$0xd];
	[sflag:s21] =	ssyncadd.s32 $0xFFFFC000  }
0x38: {  	[tilespmem:s4], [sflag:$0x9] =	stream.linear.gather [hbm4b:s13+s5], $0x80, $0x38;
	[tilespmem:$0x1E480] =	vst v63  }
0x39: {  	_ =	swait.ge [sflag:s21], $0x80  }
0x3a: {  	[sflag:s21] =	ssyncset.done $0x0  }
0x3b: {  	[sflag:s21] =	ssyncadd.s32 $0xFFFFFF80  }
0x3c: {  	[tilespmem:s22], [sflag:$0x9] =	stream.indirect.gather [hbm4b:s2+s24], $0x80, s4, s24, $0xb8;
	[tilespmem:$0x1E480] =	vst v63  }
0x3d: {  	_ =	swait.ge [sflag:s21], $0x4000  }
0x3e: {  	[sflag:s21] =	ssyncset.done $0x0  }
0x3f: {  	s14 =	rddreg [dreg:$0xe];
	[sflag:s21] =	ssyncadd.s32 $0xFFFFC000  }
0x40: {  	[hbm4b:s14+s23] =	stream.strided.scatter [tilespmem:s22], [sflag:$0x9], $0x4000, s26, s23, $0x38;
	[tilespmem:$0x1E480] =	vst v63  }
0x41: {  	_ =	swait.ge [sflag:s21], $0x4000  }
0x42: {  	[sflag:s21] =	ssyncset.done $0x0  }
0x43: {  	s13 =	rddreg [dreg:$0xf];
	[sflag:s21] =	ssyncadd.s32 $0xFFFFC000  }
0x44: {  	[tilespmem:s4], [sflag:$0x9] =	stream.linear.gather [hbm4b:s13+s5], $0x80, $0x38;
	[tilespmem:$0x1E480] =	vst v63  }
0x45: {  	_ =	swait.ge [sflag:s21], $0x80  }
0x46: {  	[sflag:s21] =	ssyncset.done $0x0  }
0x47: {  	[sflag:s21] =	ssyncadd.s32 $0xFFFFFF80  }
0x48: {  	s14 =	rddreg [dreg:$0x6]  }
0x49: {  	[tilespmem:s22], [sflag:$0x9] =	stream.indirect.gather [hbm4b:s14+s24], $0x80, s4, s24, $0xb8;
	[tilespmem:$0x1E480] =	vst v63  }
0x4a: {  	_ =	swait.ge [sflag:s21], $0x4000  }
0x4b: {  	[sflag:s21] =	ssyncset.done $0x0  }
0x4c: {  	s13 =	rddreg [dreg:$0x10];
	[sflag:s21] =	ssyncadd.s32 $0xFFFFC000  }
0x4d: {  	[hbm4b:s13+s23] =	stream.strided.scatter [tilespmem:s22], [sflag:$0x9], $0x4000, s26, s23, $0x38;
	[tilespmem:$0x1E480] =	vst v63  }
0x4e: {  	_ =	swait.ge [sflag:s21], $0x4000  }
0x4f: {  	[sflag:s21] =	ssyncset.done $0x0  }
0x50: {  	[sflag:s21] =	ssyncadd.s32 $0xFFFFC000  }
0x51: {  	[tilespmem:s22], [sflag:$0x1] =	stream.indirect.gather [hbm4b:s2+s24], $0x80, s5, s24, $0xb8;
	[tilespmem:$0x1E480] =	vst v63  }
0x52: {  	_ =	swait.ge [sflag:s29], $0x6000  }
0x53: {  	[sflag:s29] =	ssyncset.done $0x0  }
0x54: {  	[sflag:s29] =	ssyncadd.s32 $0xFFFFA000  }
0x55: {  	_ =	swait.ge [sflag:s31], $0x4000  }
0x56: {  	[sflag:s31] =	ssyncset.done $0x0  }
0x57: {  	s14 =	simm.s32 $0x300;
	[sflag:s31] =	ssyncadd.s32 $0xFFFFC000  }
0x58: {  	[tilespmem:s22], [sflag:$0x1] =	stream.indirect.gather.add.f32 [hbm:s2], $0x80, s14, s24, $0xb8;
	[tilespmem:$0x1E480] =	vst v63  }
0x59: {  	_ =	swait.ge [sflag:s0], $0x4000  }
0x5a: {  	[sflag:s0] =	ssyncset.done $0x0  }
0x5b: {  	s13 =	simm.s32 $0x380;
	[sflag:s0] =	ssyncadd.s32 $0xFFFFC000  }
0x5c: {  	[tilespmem:s25], [sflag:$0x2] =	stream.indirect.gather.add.f32 [hbm:s2], $0x80, s13, s24, $0xb8;
	[tilespmem:$0x1E480] =	vst v63  }
0x5d: {  	_ =	swait.ge [sflag:s7], $0x4000  }
0x5e: {  	[sflag:s7] =	ssyncset.done $0x0  }
0x5f: {  	s14 =	simm.s32 $0x400;
	[sflag:s7] =	ssyncadd.s32 $0xFFFFC000  }
0x60: {  	[tilespmem:s28], [sflag:$0x3] =	stream.indirect.gather.add.f32 [hbm:s2], $0x80, s14, s24, $0xb8;
	[tilespmem:$0x1E480] =	vst v63  }
0x61: {  	_ =	swait.ge [sflag:s8], $0x4000  }
0x62: {  	[sflag:s8] =	ssyncset.done $0x0  }
0x63: {  	s13 =	simm.s32 $0x480;
	[sflag:s8] =	ssyncadd.s32 $0xFFFFC000  }
0x64: {  	[tilespmem:s30], [sflag:$0x4] =	stream.indirect.gather.add.f32 [hbm:s2], $0x80, s13, s24, $0xb8;
	[tilespmem:$0x1E480] =	vst v63  }
0x65: {  	_ =	swait.ge [sflag:s9], $0x4000  }
0x66: {  	[sflag:s9] =	ssyncset.done $0x0  }
0x67: {  	s14 =	simm.s32 $0x500;
	[sflag:s9] =	ssyncadd.s32 $0xFFFFC000  }
0x68: {  	[tilespmem:s3], [sflag:$0x5] =	stream.indirect.gather.add.f32 [hbm:s2], $0x80, s14, s24, $0xb8;
	[tilespmem:$0x1E480] =	vst v63  }
0x69: {  	_ =	swait.ge [sflag:s10], $0x4000  }
0x6a: {  	[sflag:s10] =	ssyncset.done $0x0  }
0x6b: {  	s6 =	simm.s32 $0xC00;
	s13 =	simm.s32 $0x580;
	[sflag:s10] =	ssyncadd.s32 $0xFFFFC000  }
.LBB2_2:
0x6c: {  	[tilespmem:s1], [sflag:$0x6] =	stream.indirect.gather.add.f32 [hbm:s2], $0x80, s13, s24, $0xb8;
	[tilespmem:$0x1E480] =	vst v63  }
0x6d: {  	s13 =	smov.u32 s6  }
0x6e: {  	p0 =	sne.s32 s6, $0x17400;
	s6 =	sadd.s32 $0xC00, s6;
	_ =	swait.ge [sflag:s31], $0x4000  }
0x6f: {  	s13 =	sshra.s32 s13, $0x2;
	[sflag:s31] =	ssyncset.done $0x0  }
0x70: {  	s14 =	sadd.s32 $0x300, s13;
	[sflag:s31] =	ssyncadd.s32 $0xFFFFC000  }
0x71: {  	[tilespmem:s22], [sflag:$0x1] =	stream.indirect.gather.add.f32 [hbm:s2], $0x80, s14, s24, $0xb8;
	[tilespmem:$0x1E480] =	vst v63  }
0x72: {  	_ =	swait.ge [sflag:s0], $0x4000  }
0x73: {  	[sflag:s0] =	ssyncset.done $0x0  }
0x74: {  	s14 =	sadd.s32 $0x380, s13;
	[sflag:s0] =	ssyncadd.s32 $0xFFFFC000  }
0x75: {  	[tilespmem:s25], [sflag:$0x2] =	stream.indirect.gather.add.f32 [hbm:s2], $0x80, s14, s24, $0xb8;
	[tilespmem:$0x1E480] =	vst v63  }
0x76: {  	_ =	swait.ge [sflag:s7], $0x4000  }
0x77: {  	[sflag:s7] =	ssyncset.done $0x0  }
0x78: {  	s14 =	sadd.s32 $0x400, s13;
	[sflag:s7] =	ssyncadd.s32 $0xFFFFC000  }
0x79: {  	[tilespmem:s28], [sflag:$0x3] =	stream.indirect.gather.add.f32 [hbm:s2], $0x80, s14, s24, $0xb8;
	[tilespmem:$0x1E480] =	vst v63  }
0x7a: {  	_ =	swait.ge [sflag:s8], $0x4000  }
0x7b: {  	[sflag:s8] =	ssyncset.done $0x0  }
0x7c: {  	s14 =	sadd.s32 $0x480, s13;
	[sflag:s8] =	ssyncadd.s32 $0xFFFFC000  }
0x7d: {  	[tilespmem:s30], [sflag:$0x4] =	stream.indirect.gather.add.f32 [hbm:s2], $0x80, s14, s24, $0xb8;
	[tilespmem:$0x1E480] =	vst v63  }
0x7e: {  	_ =	swait.ge [sflag:s9], $0x4000  }
0x7f: {  	[sflag:s9] =	ssyncset.done $0x0  }
.Ltmp0:
0x80: {  	s14 =	sadd.s32 $0x500, s13;
	[sflag:s9] =	ssyncadd.s32 $0xFFFFC000;
	(pc) =	sbr.rel @p0 .LBB2_2-.Ltmp0, $4  }
0x81: {  	[tilespmem:s3], [sflag:$0x5] =	stream.indirect.gather.add.f32 [hbm:s2], $0x80, s14, s24, $0xb8;
	[tilespmem:$0x1E480] =	vst v63  }
0x82: {  	_ =	swait.ge [sflag:s10], $0x4000  }
0x83: {  	[sflag:s10] =	ssyncset.done $0x0  }
0x84: {  	s13 =	sadd.s32 $0x580, s13;
	[sflag:s10] =	ssyncadd.s32 $0xFFFFC000  }
0x85: {  	[tilespmem:s1], [sflag:$0x6] =	stream.indirect.gather.add.f32 [hbm:s2], $0x80, s13, s24, $0xb8;
	[tilespmem:$0x1E480] =	vst v63  }
0x86: {  	_ =	swait.ge [sflag:s31], $0x4000  }
0x87: {  	[sflag:s31] =	ssyncset.done $0x0  }
0x88: {  	s6 =	simm.s32 $0x6300;
	[sflag:s31] =	ssyncadd.s32 $0xFFFFC000  }
0x89: {  	[tilespmem:s22], [sflag:$0x1] =	stream.indirect.gather.add.f32 [hbm:s2], $0x80, s6, s24, $0xb8;
	[tilespmem:$0x1E480] =	vst v63  }
0x8a: {  	_ =	swait.ge [sflag:s0], $0x4000  }
0x8b: {  	[sflag:s0] =	ssyncset.done $0x0  }
0x8c: {  	s13 =	simm.s32 $0x6380;
	[sflag:s0] =	ssyncadd.s32 $0xFFFFC000  }
0x8d: {  	[tilespmem:s25], [sflag:$0x2] =	stream.indirect.gather.add.f32 [hbm:s2], $0x80, s13, s24, $0xb8;
	[tilespmem:$0x1E480] =	vst v63  }
0x8e: {  	_ =	swait.ge [sflag:s31], $0x4000  }
0x8f: {  	[sflag:s31] =	ssyncset.done $0x0  }
0x90: {  	s14 =	rddreg [dreg:$0x11];
	[sflag:s31] =	ssyncadd.s32 $0xFFFFC000  }
0x91: {  	[hbm4b:s14+s23] =	stream.strided.scatter [tilespmem:s22], [sflag:$0x8], $0x4000, s26, s23, $0x38;
	[tilespmem:$0x1E480] =	vst v63  }
0x92: {  	_ =	swait.ge [sflag:s0], $0x4000  }
0x93: {  	[sflag:s0] =	ssyncset.done $0x0  }
0x94: {  	[sflag:s0] =	ssyncadd.s32 $0xFFFFC000  }
0x95: {  	[hbm4b:s15+s23] =	stream.strided.scatter [tilespmem:s25], [sflag:$0x8], $0x4000, s26, s23, $0x38;
	[tilespmem:$0x1E480] =	vst v63  }
0x96: {  	_ =	swait.ge [sflag:s7], $0x4000  }
0x97: {  	[sflag:s7] =	ssyncset.done $0x0  }
0x98: {  	[sflag:s7] =	ssyncadd.s32 $0xFFFFC000  }
0x99: {  	[hbm4b:s16+s23] =	stream.strided.scatter [tilespmem:s28], [sflag:$0x8], $0x4000, s26, s23, $0x38;
	[tilespmem:$0x1E480] =	vst v63  }
0x9a: {  	_ =	swait.ge [sflag:s8], $0x4000  }
0x9b: {  	[sflag:s8] =	ssyncset.done $0x0  }
0x9c: {  	[sflag:s8] =	ssyncadd.s32 $0xFFFFC000  }
0x9d: {  	[hbm4b:s17+s23] =	stream.strided.scatter [tilespmem:s30], [sflag:$0x8], $0x4000, s26, s23, $0x38;
	[tilespmem:$0x1E480] =	vst v63  }
0x9e: {  	_ =	swait.ge [sflag:s9], $0x4000  }
0x9f: {  	[sflag:s9] =	ssyncset.done $0x0  }
0xa0: {  	[sflag:s9] =	ssyncadd.s32 $0xFFFFC000  }
0xa1: {  	[hbm4b:s18+s23] =	stream.strided.scatter [tilespmem:s3], [sflag:$0x8], $0x4000, s26, s23, $0x38;
	[tilespmem:$0x1E480] =	vst v63  }
0xa2: {  	_ =	swait.ge [sflag:s10], $0x4000  }
0xa3: {  	[sflag:s10] =	ssyncset.done $0x0  }
0xa4: {  	[sflag:s10] =	ssyncadd.s32 $0xFFFFC000  }
0xa5: {  	[hbm4b:s19+s23] =	stream.strided.scatter [tilespmem:s1], [sflag:$0x8], $0x4000, s26, s23, $0x38;
	[tilespmem:$0x1E480] =	vst v63  }
0xa6: {  	_ =	swait.ge [sflag:s11], $0x4000  }
0xa7: {  	[sflag:s11] =	ssyncset.done $0x0  }
0xa8: {  	[sflag:s11] =	ssyncadd.s32 $0xFFFFC000  }
0xa9: {  	_ =	swait.ge [sflag:s11], $0x4000  }
0xaa: {  	[sflag:s11] =	ssyncset.done $0x0  }
0xab: {  	[sflag:s11] =	ssyncadd.s32 $0xFFFFC000  }
0xac: {  	_ =	swait.ge [sflag:s11], $0x4000  }
0xad: {  	[sflag:s11] =	ssyncset.done $0x0  }
0xae: {  	[sflag:s11] =	ssyncadd.s32 $0xFFFFC000  }
0xaf: {  	_ =	swait.ge [sflag:s11], $0x4000  }
0xb0: {  	[sflag:s11] =	ssyncset.done $0x0  }
0xb1: {  	s12 =	sadd.s32 $0x1, s12;
	[sflag:s11] =	ssyncadd.s32 $0xFFFFC000  }
0xb2: {  	p0 =	sne.s32 s12, s20;
	_ =	swait.ge [sflag:s11], $0x4000  }
.Ltmp1:
0xb3: {  	[sflag:s11] =	ssyncset.done $0x0;
	(pc) =	sbr.rel @p0 .LBB2_1-.Ltmp1, $4  }
0xb4: {  	[sflag:s11] =	ssyncadd.s32 $0xFFFFC000  }
0xb5: {  	_ =	swait.ge [sflag:s11], $0x4000  }
0xb6: {  	[sflag:s11] =	ssyncset.done $0x0  }
0xb7: {  	[sflag:s11] =	ssyncadd.s32 $0xFFFFC000  }
0xb8: {  	_ =	sfence.sel $0x180000  }
0xb9: {  	[bflag:$0x0] =	sbarrier.arrive $0xFFFF  }
0xba: {  	_ =	strace $0x90000047  }
0xbb: {  	s0 =	stileid.u32;
	[bflag:$0x2] =	sbarrier.arrive $0xFFFF  }
0xbc: {  	p0 =	sne.s32 s0, $0x0;
	s0 =	rddreg [dreg:$0x8]  }
0xbd: {  	s0 =	sadd.s32 @!p0 $0x100000, s0  }
0xbe: {  	[sflag:s0] =	ssyncadd.tile.s32 @!p0 $0x1;
	_ =	shalt  }
.Lfunc_end2:
_tile_overlayer_lowered:
.L_overlay_start_2:
0xbf: {  	(tag) =	ssettag $0x2  }
0xc0: {  	s0 =	rddreg [dreg:$0x0];
	s2 =	stileid.u32  }
0xc1: {  	s1 =	rddreg [dreg:$0x1];
	p0 =	sne.s32 s2, $0x0  }
0xc2: {  	s3 =	rddreg [dreg:$0x2];
	[bflag:$0x3] =	sbarrier.arrive $0xFFFF;
	s2 =	simm.s32 @!p0 $0x1C09  }
0xc3: {  	[timem:s3], [sflag:s2] =	dma.local @!p0 [hbm:s0], s1  }
0xc4: {  	s0 =	simm.s32 @!p0 $0x9  }
0xc5: {  	_ =	swait.ge @!p0 [sflag:s0], s1  }
0xc6: {  	s1 =	ssub.s32 @!p0 $0x0, s1;
	[sflag:s0] =	ssyncset.done @!p0 $0x0  }
0xc7: {  	[sflag:s0] =	ssyncadd.s32 @!p0 s1  }
0xc8: {  	[bflag:$0x3] =	sbarrier.arrive $0xFFFF  }
0xc9: {  	_ =	shalt  }

</sc_bundles>
